<compile_context>
chip_gen: v7x
topology: tpu7x:2x2x1
jax: 0.10.2.dev20260603
libtpu: 0.0.44.dev20260713+nightly
codegen_flags: <defaults>
</compile_context>

<pallas_src>
import jax
import jax.numpy as jnp
from jax import lax
from jax.experimental import pallas as pl
from jax.experimental.pallas import tpu as pltpu
from jax.experimental.pallas import tpu_sc as plsc

NC, NS, L = 2, 16, 16
NW = NC * NS

B = 16384 * 26
D = 128
CHUNK = 104
B_PER_W = B // NW
N_CHUNKS = B_PER_W // CHUNK
NBUF = 8
N_LOOP = N_CHUNKS // NBUF
TAIL = N_LOOP * NBUF


def _emb_body(table_hbm, idx_hbm, out_hbm, idx_v, bufs, gsems, osems):
    wid = lax.axis_index("s") * NC + lax.axis_index("c")
    row_base = wid * B_PER_W

    pltpu.sync_copy(idx_hbm.at[wid], idx_v)

    def gather(j, b):
        return pltpu.make_async_copy(
            table_hbm.at[idx_v.at[j]], bufs[b], gsems[b])

    def writeback(j, b):
        return pltpu.make_async_copy(
            bufs[b], out_hbm.at[pl.ds(row_base + j * CHUNK, CHUNK)], osems[b])

    for b in range(NBUF):
        gather(b, b).start()

    def step(jj, _):
        for b in range(NBUF):
            j = jj * NBUF + b
            gather(j, b).wait()
            writeback(j, b).start()
            nxt = j + NBUF

            @pl.when(nxt < N_CHUNKS)
            def _():
                writeback(j, b).wait()
                gather(nxt, b).start()
        return 0

    lax.fori_loop(0, N_LOOP, step, 0)

    for j in range(TAIL, N_CHUNKS):
        gather(j, j % NBUF).wait()
        writeback(j, j % NBUF).start()
    for j in range(N_CHUNKS - NBUF, N_CHUNKS):
        writeback(j, j % NBUF).wait()


@jax.jit
def _emb_lookup(idx2d, table):
    mesh = plsc.VectorSubcoreMesh(core_axis_name="c", subcore_axis_name="s")
    f = pl.kernel(
        _emb_body,
        out_type=jax.ShapeDtypeStruct((B, D), jnp.float32),
        mesh=mesh,
        scratch_types=[
            pltpu.VMEM((N_CHUNKS, CHUNK), jnp.int32),
            [pltpu.VMEM((CHUNK, D), jnp.float32) for _ in range(NBUF)],
            [pltpu.SemaphoreType.DMA for _ in range(NBUF)],
            [pltpu.SemaphoreType.DMA for _ in range(NBUF)],
        ],
    )
    return f(table, idx2d)


def kernel(node_fea, table):
    idx2d = node_fea.astype(jnp.int32).reshape(NW, N_CHUNKS, CHUNK)
    return _emb_lookup(idx2d, table)

# --- scband reference (transcript-rebuilt; emitter-appended) ---
"""Pipeline reference for scband-emb-initial-43490838839334 (READ-ONLY COPY).

The authoritative reference and input builder live on the scoring server;
editing this copy changes nothing except your own understanding.
"""

import jax, jax.numpy as jnp
import numpy as np


def setup_inputs(seed: int = 0) -> dict:
    key = jax.random.key(seed)
    k1, k2 = jax.random.split(key)
    node_fea = jax.random.randint(k1, (16384, 26), 0, 100000, dtype=jnp.int64)
    # Embedding table: (node_in_channels + 1, emb_dim) = (100001, 128), xavier_uniform init
    fan_in, fan_out = 100001, 128
    limit = float(np.sqrt(6.0 / (fan_in + fan_out)))
    table = jax.random.uniform(k2, (100001, 128), minval=-limit, maxval=limit, dtype=jnp.float32)
    return {"node_fea": node_fea, "table": table}


def reference(node_fea, table):
    idx = node_fea.astype(jnp.int64).reshape(-1)
    return jnp.take(table, idx, axis=0)

if __name__ == "__main__":
    import jax
    _d = setup_inputs()
    print(jax.jit(kernel)(*tuple(_d.values())))

</pallas_src>

<mosaic_0001>
#map = affine_map<(d0, d1) -> (0, 0)>
#map1 = affine_map<(d0, d1) -> (0, 0, 0)>
module attributes {stable_mosaic.version = 14 : i64} {
  func.func @_emb_body(%arg0: i32, %arg1: i32, %arg2: memref<100001x128xf32, #tpu.memory_space<hbm>>, %arg3: memref<32x128x104xi32, #tpu.memory_space<hbm>>, %arg4: memref<425984x128xf32, #tpu.memory_space<hbm>>, %arg5: memref<128x104xi32, #tpu.memory_space<vmem>>, %arg6: memref<104x128xf32, #tpu.memory_space<vmem>>, %arg7: memref<104x128xf32, #tpu.memory_space<vmem>>, %arg8: memref<104x128xf32, #tpu.memory_space<vmem>>, %arg9: memref<104x128xf32, #tpu.memory_space<vmem>>, %arg10: memref<104x128xf32, #tpu.memory_space<vmem>>, %arg11: memref<104x128xf32, #tpu.memory_space<vmem>>, %arg12: memref<104x128xf32, #tpu.memory_space<vmem>>, %arg13: memref<104x128xf32, #tpu.memory_space<vmem>>, %arg14: memref<!tpu.dma_semaphore, #tpu.memory_space<semaphore_mem>>, %arg15: memref<!tpu.dma_semaphore, #tpu.memory_space<semaphore_mem>>, %arg16: memref<!tpu.dma_semaphore, #tpu.memory_space<semaphore_mem>>, %arg17: memref<!tpu.dma_semaphore, #tpu.memory_space<semaphore_mem>>, %arg18: memref<!tpu.dma_semaphore, #tpu.memory_space<semaphore_mem>>, %arg19: memref<!tpu.dma_semaphore, #tpu.memory_space<semaphore_mem>>, %arg20: memref<!tpu.dma_semaphore, #tpu.memory_space<semaphore_mem>>, %arg21: memref<!tpu.dma_semaphore, #tpu.memory_space<semaphore_mem>>, %arg22: memref<!tpu.dma_semaphore, #tpu.memory_space<semaphore_mem>>, %arg23: memref<!tpu.dma_semaphore, #tpu.memory_space<semaphore_mem>>, %arg24: memref<!tpu.dma_semaphore, #tpu.memory_space<semaphore_mem>>, %arg25: memref<!tpu.dma_semaphore, #tpu.memory_space<semaphore_mem>>, %arg26: memref<!tpu.dma_semaphore, #tpu.memory_space<semaphore_mem>>, %arg27: memref<!tpu.dma_semaphore, #tpu.memory_space<semaphore_mem>>, %arg28: memref<!tpu.dma_semaphore, #tpu.memory_space<semaphore_mem>>, %arg29: memref<!tpu.dma_semaphore, #tpu.memory_space<semaphore_mem>>) attributes {dimension_semantics = [#tpu.dimension_semantics<core_parallel>, #tpu.dimension_semantics<subcore_parallel>], iteration_bounds = array<i64: 2, 16>, scalar_prefetch = 0 : i64, scratch_operands = 25 : i64, tpu.core_type = #tpu.core_type<sc_vector_subcore>, window_params = [{transform_indices = #map}, {transform_indices = #map1}, {transform_indices = #map}]} {
    %mul3A = arith.constant 2 : i32
    %mul3A_0 = arith.muli %arg1, %mul3A : i32
    %add3A = arith.addi %mul3A_0, %arg0 : i32
    %mul3A_1 = arith.constant 13312 : i32
    %mul3A_2 = arith.muli %add3A, %mul3A_1 : i32
    "tpu.region"() ({
      %run_scoped3A = tpu.sem_alloc : memref<!tpu.dma_semaphore, #tpu.memory_space<semaphore_mem>>
      %dma_start3A_111 = arith.constant 0 : i32
      %dma_start3A_112 = arith.constant 0 : i32
      %dma_start3A_113 = tpu.memref_slice %arg3[%add3A, %dma_start3A_111, %dma_start3A_112] : memref<32x128x104xi32, #tpu.memory_space<hbm>> -> memref<1x128x104xi32, #tpu.memory_space<hbm>>
      %dma_start3A_114 = tpu.memref_squeeze %dma_start3A_113 : memref<1x128x104xi32, #tpu.memory_space<hbm>> -> memref<128x104xi32, #tpu.memory_space<hbm>>
      %dma_start3A_115 = arith.constant 0 : i32
      %dma_start3A_116 = arith.constant 0 : i32
      %dma_start3A_117 = tpu.memref_slice %arg3[%add3A, %dma_start3A_115, %dma_start3A_116] : memref<32x128x104xi32, #tpu.memory_space<hbm>> -> memref<1x128x104xi32, #tpu.memory_space<hbm>>
      %dma_start3A_118 = tpu.memref_squeeze %dma_start3A_117 : memref<1x128x104xi32, #tpu.memory_space<hbm>> -> memref<128x104xi32, #tpu.memory_space<hbm>>
      tpu.enqueue_dma source(%dma_start3A_118 : memref<128x104xi32, #tpu.memory_space<hbm>>) target(%arg5 : memref<128x104xi32, #tpu.memory_space<vmem>>) target_semaphore(%run_scoped3A : memref<!tpu.dma_semaphore, #tpu.memory_space<semaphore_mem>>)
      %dma_wait3A_119 = arith.constant 0 : i32
      %dma_wait3A_120 = arith.constant 0 : i32
      %dma_wait3A_121 = tpu.memref_slice %arg3[%add3A, %dma_wait3A_119, %dma_wait3A_120] : memref<32x128x104xi32, #tpu.memory_space<hbm>> -> memref<1x128x104xi32, #tpu.memory_space<hbm>>
      %dma_wait3A_122 = tpu.memref_squeeze %dma_wait3A_121 : memref<1x128x104xi32, #tpu.memory_space<hbm>> -> memref<128x104xi32, #tpu.memory_space<hbm>>
      %dma_wait3A_123 = arith.constant 0 : i32
      %dma_wait3A_124 = arith.constant 0 : i32
      %dma_wait3A_125 = tpu.memref_slice %arg3[%add3A, %dma_wait3A_123, %dma_wait3A_124] : memref<32x128x104xi32, #tpu.memory_space<hbm>> -> memref<1x128x104xi32, #tpu.memory_space<hbm>>
      %dma_wait3A_126 = tpu.memref_squeeze %dma_wait3A_125 : memref<1x128x104xi32, #tpu.memory_space<hbm>> -> memref<128x104xi32, #tpu.memory_space<hbm>>
      tpu.wait_dma2 semaphore(%run_scoped3A : memref<!tpu.dma_semaphore, #tpu.memory_space<semaphore_mem>>) src(%dma_wait3A_126 : memref<128x104xi32, #tpu.memory_space<hbm>>) dst(%arg5 : memref<128x104xi32, #tpu.memory_space<vmem>>)
      tpu.yield
    }) : () -> ()
    %dma_start3A = arith.constant 0 : i32
    %dma_start3A_3 = arith.constant 0 : i32
    %dma_start3A_4 = tpu.memref_slice %arg5[%dma_start3A, %dma_start3A_3] : memref<128x104xi32, #tpu.memory_space<vmem>> -> memref<1x104xi32, #tpu.memory_space<vmem>>
    %dma_start3A_5 = tpu.memref_squeeze %dma_start3A_4 : memref<1x104xi32, #tpu.memory_space<vmem>> -> memref<104xi32, #tpu.memory_space<vmem>>
    %dma_start3A_6 = arith.constant 0 : i32
    %dma_start3A_7 = arith.constant 0 : i32
    %dma_start3A_8 = tpu.memref_slice %arg2[%dma_start3A_6, %dma_start3A_7] : memref<100001x128xf32, #tpu.memory_space<hbm>> -> memref<100001x128xf32, #tpu.memory_space<hbm>>
    tpu.enqueue_indirect_dma source(%dma_start3A_8 : memref<100001x128xf32, #tpu.memory_space<hbm>>) target(%arg6 : memref<104x128xf32, #tpu.memory_space<vmem>>) offsets(%dma_start3A_5 : memref<104xi32, #tpu.memory_space<vmem>>) semaphore(%arg14 : memref<!tpu.dma_semaphore, #tpu.memory_space<semaphore_mem>>)
    %dma_start3A_9 = arith.constant 1 : i32
    %dma_start3A_10 = arith.constant 0 : i32
    %dma_start3A_11 = tpu.memref_slice %arg5[%dma_start3A_9, %dma_start3A_10] : memref<128x104xi32, #tpu.memory_space<vmem>> -> memref<1x104xi32, #tpu.memory_space<vmem>>
    %dma_start3A_12 = tpu.memref_squeeze %dma_start3A_11 : memref<1x104xi32, #tpu.memory_space<vmem>> -> memref<104xi32, #tpu.memory_space<vmem>>
    %dma_start3A_13 = arith.constant 0 : i32
    %dma_start3A_14 = arith.constant 0 : i32
    %dma_start3A_15 = tpu.memref_slice %arg2[%dma_start3A_13, %dma_start3A_14] : memref<100001x128xf32, #tpu.memory_space<hbm>> -> memref<100001x128xf32, #tpu.memory_space<hbm>>
    tpu.enqueue_indirect_dma source(%dma_start3A_15 : memref<100001x128xf32, #tpu.memory_space<hbm>>) target(%arg7 : memref<104x128xf32, #tpu.memory_space<vmem>>) offsets(%dma_start3A_12 : memref<104xi32, #tpu.memory_space<vmem>>) semaphore(%arg15 : memref<!tpu.dma_semaphore, #tpu.memory_space<semaphore_mem>>)
    %dma_start3A_16 = arith.constant 2 : i32
    %dma_start3A_17 = arith.constant 0 : i32
    %dma_start3A_18 = tpu.memref_slice %arg5[%dma_start3A_16, %dma_start3A_17] : memref<128x104xi32, #tpu.memory_space<vmem>> -> memref<1x104xi32, #tpu.memory_space<vmem>>
    %dma_start3A_19 = tpu.memref_squeeze %dma_start3A_18 : memref<1x104xi32, #tpu.memory_space<vmem>> -> memref<104xi32, #tpu.memory_space<vmem>>
    %dma_start3A_20 = arith.constant 0 : i32
    %dma_start3A_21 = arith.constant 0 : i32
    %dma_start3A_22 = tpu.memref_slice %arg2[%dma_start3A_20, %dma_start3A_21] : memref<100001x128xf32, #tpu.memory_space<hbm>> -> memref<100001x128xf32, #tpu.memory_space<hbm>>
    tpu.enqueue_indirect_dma source(%dma_start3A_22 : memref<100001x128xf32, #tpu.memory_space<hbm>>) target(%arg8 : memref<104x128xf32, #tpu.memory_space<vmem>>) offsets(%dma_start3A_19 : memref<104xi32, #tpu.memory_space<vmem>>) semaphore(%arg16 : memref<!tpu.dma_semaphore, #tpu.memory_space<semaphore_mem>>)
    %dma_start3A_23 = arith.constant 3 : i32
    %dma_start3A_24 = arith.constant 0 : i32
    %dma_start3A_25 = tpu.memref_slice %arg5[%dma_start3A_23, %dma_start3A_24] : memref<128x104xi32, #tpu.memory_space<vmem>> -> memref<1x104xi32, #tpu.memory_space<vmem>>
    %dma_start3A_26 = tpu.memref_squeeze %dma_start3A_25 : memref<1x104xi32, #tpu.memory_space<vmem>> -> memref<104xi32, #tpu.memory_space<vmem>>
    %dma_start3A_27 = arith.constant 0 : i32
    %dma_start3A_28 = arith.constant 0 : i32
    %dma_start3A_29 = tpu.memref_slice %arg2[%dma_start3A_27, %dma_start3A_28] : memref<100001x128xf32, #tpu.memory_space<hbm>> -> memref<100001x128xf32, #tpu.memory_space<hbm>>
    tpu.enqueue_indirect_dma source(%dma_start3A_29 : memref<100001x128xf32, #tpu.memory_space<hbm>>) target(%arg9 : memref<104x128xf32, #tpu.memory_space<vmem>>) offsets(%dma_start3A_26 : memref<104xi32, #tpu.memory_space<vmem>>) semaphore(%arg17 : memref<!tpu.dma_semaphore, #tpu.memory_space<semaphore_mem>>)
    %dma_start3A_30 = arith.constant 4 : i32
    %dma_start3A_31 = arith.constant 0 : i32
    %dma_start3A_32 = tpu.memref_slice %arg5[%dma_start3A_30, %dma_start3A_31] : memref<128x104xi32, #tpu.memory_space<vmem>> -> memref<1x104xi32, #tpu.memory_space<vmem>>
    %dma_start3A_33 = tpu.memref_squeeze %dma_start3A_32 : memref<1x104xi32, #tpu.memory_space<vmem>> -> memref<104xi32, #tpu.memory_space<vmem>>
    %dma_start3A_34 = arith.constant 0 : i32
    %dma_start3A_35 = arith.constant 0 : i32
    %dma_start3A_36 = tpu.memref_slice %arg2[%dma_start3A_34, %dma_start3A_35] : memref<100001x128xf32, #tpu.memory_space<hbm>> -> memref<100001x128xf32, #tpu.memory_space<hbm>>
    tpu.enqueue_indirect_dma source(%dma_start3A_36 : memref<100001x128xf32, #tpu.memory_space<hbm>>) target(%arg10 : memref<104x128xf32, #tpu.memory_space<vmem>>) offsets(%dma_start3A_33 : memref<104xi32, #tpu.memory_space<vmem>>) semaphore(%arg18 : memref<!tpu.dma_semaphore, #tpu.memory_space<semaphore_mem>>)
    %dma_start3A_37 = arith.constant 5 : i32
    %dma_start3A_38 = arith.constant 0 : i32
    %dma_start3A_39 = tpu.memref_slice %arg5[%dma_start3A_37, %dma_start3A_38] : memref<128x104xi32, #tpu.memory_space<vmem>> -> memref<1x104xi32, #tpu.memory_space<vmem>>
    %dma_start3A_40 = tpu.memref_squeeze %dma_start3A_39 : memref<1x104xi32, #tpu.memory_space<vmem>> -> memref<104xi32, #tpu.memory_space<vmem>>
    %dma_start3A_41 = arith.constant 0 : i32
    %dma_start3A_42 = arith.constant 0 : i32
    %dma_start3A_43 = tpu.memref_slice %arg2[%dma_start3A_41, %dma_start3A_42] : memref<100001x128xf32, #tpu.memory_space<hbm>> -> memref<100001x128xf32, #tpu.memory_space<hbm>>
    tpu.enqueue_indirect_dma source(%dma_start3A_43 : memref<100001x128xf32, #tpu.memory_space<hbm>>) target(%arg11 : memref<104x128xf32, #tpu.memory_space<vmem>>) offsets(%dma_start3A_40 : memref<104xi32, #tpu.memory_space<vmem>>) semaphore(%arg19 : memref<!tpu.dma_semaphore, #tpu.memory_space<semaphore_mem>>)
    %dma_start3A_44 = arith.constant 6 : i32
    %dma_start3A_45 = arith.constant 0 : i32
    %dma_start3A_46 = tpu.memref_slice %arg5[%dma_start3A_44, %dma_start3A_45] : memref<128x104xi32, #tpu.memory_space<vmem>> -> memref<1x104xi32, #tpu.memory_space<vmem>>
    %dma_start3A_47 = tpu.memref_squeeze %dma_start3A_46 : memref<1x104xi32, #tpu.memory_space<vmem>> -> memref<104xi32, #tpu.memory_space<vmem>>
    %dma_start3A_48 = arith.constant 0 : i32
    %dma_start3A_49 = arith.constant 0 : i32
    %dma_start3A_50 = tpu.memref_slice %arg2[%dma_start3A_48, %dma_start3A_49] : memref<100001x128xf32, #tpu.memory_space<hbm>> -> memref<100001x128xf32, #tpu.memory_space<hbm>>
    tpu.enqueue_indirect_dma source(%dma_start3A_50 : memref<100001x128xf32, #tpu.memory_space<hbm>>) target(%arg12 : memref<104x128xf32, #tpu.memory_space<vmem>>) offsets(%dma_start3A_47 : memref<104xi32, #tpu.memory_space<vmem>>) semaphore(%arg20 : memref<!tpu.dma_semaphore, #tpu.memory_space<semaphore_mem>>)
    %dma_start3A_51 = arith.constant 7 : i32
    %dma_start3A_52 = arith.constant 0 : i32
    %dma_start3A_53 = tpu.memref_slice %arg5[%dma_start3A_51, %dma_start3A_52] : memref<128x104xi32, #tpu.memory_space<vmem>> -> memref<1x104xi32, #tpu.memory_space<vmem>>
    %dma_start3A_54 = tpu.memref_squeeze %dma_start3A_53 : memref<1x104xi32, #tpu.memory_space<vmem>> -> memref<104xi32, #tpu.memory_space<vmem>>
    %dma_start3A_55 = arith.constant 0 : i32
    %dma_start3A_56 = arith.constant 0 : i32
    %dma_start3A_57 = tpu.memref_slice %arg2[%dma_start3A_55, %dma_start3A_56] : memref<100001x128xf32, #tpu.memory_space<hbm>> -> memref<100001x128xf32, #tpu.memory_space<hbm>>
    tpu.enqueue_indirect_dma source(%dma_start3A_57 : memref<100001x128xf32, #tpu.memory_space<hbm>>) target(%arg13 : memref<104x128xf32, #tpu.memory_space<vmem>>) offsets(%dma_start3A_54 : memref<104xi32, #tpu.memory_space<vmem>>) semaphore(%arg21 : memref<!tpu.dma_semaphore, #tpu.memory_space<semaphore_mem>>)
    %scan3A = arith.constant 0 : i32
    %scan3A_58 = arith.constant 0 : i32
    %scan3A_59 = arith.constant 16 : i32
    %scan3A_60 = arith.addi %scan3A_58, %scan3A_59 : i32
    %scan3A_61 = arith.constant 1 : i32
    %scan3A_62 = scf.for %scan3A_111 = %scan3A_58 to %scan3A_60 step %scan3A_61 iter_args(%scan3A_112 = %scan3A) -> (i32)  : i32 {
      %mul3A_113 = arith.constant 8 : i32
      %mul3A_114 = arith.muli %scan3A_111, %mul3A_113 : i32
      %add3A_115 = arith.constant 0 : i32
      %add3A_116 = arith.addi %mul3A_114, %add3A_115 : i32
      %dma_wait3A_117 = arith.constant 0 : i32
      %dma_wait3A_118 = tpu.memref_slice %arg5[%add3A_116, %dma_wait3A_117] : memref<128x104xi32, #tpu.memory_space<vmem>> -> memref<1x104xi32, #tpu.memory_space<vmem>>
      %dma_wait3A_119 = tpu.memref_squeeze %dma_wait3A_118 : memref<1x104xi32, #tpu.memory_space<vmem>> -> memref<104xi32, #tpu.memory_space<vmem>>
      %dma_wait3A_120 = arith.constant 0 : i32
      %dma_wait3A_121 = arith.constant 0 : i32
      %dma_wait3A_122 = tpu.memref_slice %arg2[%dma_wait3A_120, %dma_wait3A_121] : memref<100001x128xf32, #tpu.memory_space<hbm>> -> memref<100001x128xf32, #tpu.memory_space<hbm>>
      tpu.wait_indirect_dma semaphore(%arg14 : memref<!tpu.dma_semaphore, #tpu.memory_space<semaphore_mem>>) src(%dma_wait3A_122 : memref<100001x128xf32, #tpu.memory_space<hbm>>) dst(%arg6 : memref<104x128xf32, #tpu.memory_space<vmem>>)
      %mul3A_123 = arith.constant 104 : i32
      %mul3A_124 = arith.muli %add3A_116, %mul3A_123 : i32
      %add3A_125 = arith.addi %mul3A_2, %mul3A_124 : i32
      %dma_start3A_126 = arith.constant 0 : i32
      %dma_start3A_127 = tpu.memref_slice %arg4[%add3A_125, %dma_start3A_126] : memref<425984x128xf32, #tpu.memory_space<hbm>> -> memref<104x128xf32, #tpu.memory_space<hbm>>
      %dma_start3A_128 = arith.constant 0 : i32
      %dma_start3A_129 = tpu.memref_slice %arg4[%add3A_125, %dma_start3A_128] : memref<425984x128xf32, #tpu.memory_space<hbm>> -> memref<104x128xf32, #tpu.memory_space<hbm>>
      tpu.enqueue_dma source(%arg6 : memref<104x128xf32, #tpu.memory_space<vmem>>) target(%dma_start3A_129 : memref<104x128xf32, #tpu.memory_space<hbm>>) target_semaphore(%arg22 : memref<!tpu.dma_semaphore, #tpu.memory_space<semaphore_mem>>)
      %add3A_130 = arith.constant 8 : i32
      %add3A_131 = arith.addi %add3A_116, %add3A_130 : i32
      %lt3A = arith.constant 128 : i32
      %lt3A_132 = arith.cmpi slt, %add3A_131, %lt3A : i32
      %convert_element_type3A = arith.extui %lt3A_132 : i1 to i32
      %cond3A = arith.constant 0 : i32
      %cond3A_133 = arith.cmpi ne, %convert_element_type3A, %cond3A : i32
      scf.if %cond3A_133 {
        %mul3A_303 = arith.constant 104 : i32
        %mul3A_304 = arith.muli %add3A_116, %mul3A_303 : i32
        %add3A_305 = arith.addi %mul3A_2, %mul3A_304 : i32
        %dma_wait3A_306 = arith.constant 0 : i32
        %dma_wait3A_307 = tpu.memref_slice %arg4[%add3A_305, %dma_wait3A_306] : memref<425984x128xf32, #tpu.memory_space<hbm>> -> memref<104x128xf32, #tpu.memory_space<hbm>>
        %dma_wait3A_308 = arith.constant 0 : i32
        %dma_wait3A_309 = tpu.memref_slice %arg4[%add3A_305, %dma_wait3A_308] : memref<425984x128xf32, #tpu.memory_space<hbm>> -> memref<104x128xf32, #tpu.memory_space<hbm>>
        tpu.wait_dma2 semaphore(%arg22 : memref<!tpu.dma_semaphore, #tpu.memory_space<semaphore_mem>>) src(%arg6 : memref<104x128xf32, #tpu.memory_space<vmem>>) dst(%dma_wait3A_309 : memref<104x128xf32, #tpu.memory_space<hbm>>)
        %dma_start3A_310 = arith.constant 0 : i32
        %dma_start3A_311 = tpu.memref_slice %arg5[%add3A_131, %dma_start3A_310] : memref<128x104xi32, #tpu.memory_space<vmem>> -> memref<1x104xi32, #tpu.memory_space<vmem>>
        %dma_start3A_312 = tpu.memref_squeeze %dma_start3A_311 : memref<1x104xi32, #tpu.memory_space<vmem>> -> memref<104xi32, #tpu.memory_space<vmem>>
        %dma_start3A_313 = arith.constant 0 : i32
        %dma_start3A_314 = arith.constant 0 : i32
        %dma_start3A_315 = tpu.memref_slice %arg2[%dma_start3A_313, %dma_start3A_314] : memref<100001x128xf32, #tpu.memory_space<hbm>> -> memref<100001x128xf32, #tpu.memory_space<hbm>>
        tpu.enqueue_indirect_dma source(%dma_start3A_315 : memref<100001x128xf32, #tpu.memory_space<hbm>>) target(%arg6 : memref<104x128xf32, #tpu.memory_space<vmem>>) offsets(%dma_start3A_312 : memref<104xi32, #tpu.memory_space<vmem>>) semaphore(%arg14 : memref<!tpu.dma_semaphore, #tpu.memory_space<semaphore_mem>>)
      } else {
      }
      %mul3A_134 = arith.constant 8 : i32
      %mul3A_135 = arith.muli %scan3A_111, %mul3A_134 : i32
      %add3A_136 = arith.constant 1 : i32
      %add3A_137 = arith.addi %mul3A_135, %add3A_136 : i32
      %dma_wait3A_138 = arith.constant 0 : i32
      %dma_wait3A_139 = tpu.memref_slice %arg5[%add3A_137, %dma_wait3A_138] : memref<128x104xi32, #tpu.memory_space<vmem>> -> memref<1x104xi32, #tpu.memory_space<vmem>>
      %dma_wait3A_140 = tpu.memref_squeeze %dma_wait3A_139 : memref<1x104xi32, #tpu.memory_space<vmem>> -> memref<104xi32, #tpu.memory_space<vmem>>
      %dma_wait3A_141 = arith.constant 0 : i32
      %dma_wait3A_142 = arith.constant 0 : i32
      %dma_wait3A_143 = tpu.memref_slice %arg2[%dma_wait3A_141, %dma_wait3A_142] : memref<100001x128xf32, #tpu.memory_space<hbm>> -> memref<100001x128xf32, #tpu.memory_space<hbm>>
      tpu.wait_indirect_dma semaphore(%arg15 : memref<!tpu.dma_semaphore, #tpu.memory_space<semaphore_mem>>) src(%dma_wait3A_143 : memref<100001x128xf32, #tpu.memory_space<hbm>>) dst(%arg7 : memref<104x128xf32, #tpu.memory_space<vmem>>)
      %mul3A_144 = arith.constant 104 : i32
      %mul3A_145 = arith.muli %add3A_137, %mul3A_144 : i32
      %add3A_146 = arith.addi %mul3A_2, %mul3A_145 : i32
      %dma_start3A_147 = arith.constant 0 : i32
      %dma_start3A_148 = tpu.memref_slice %arg4[%add3A_146, %dma_start3A_147] : memref<425984x128xf32, #tpu.memory_space<hbm>> -> memref<104x128xf32, #tpu.memory_space<hbm>>
      %dma_start3A_149 = arith.constant 0 : i32
      %dma_start3A_150 = tpu.memref_slice %arg4[%add3A_146, %dma_start3A_149] : memref<425984x128xf32, #tpu.memory_space<hbm>> -> memref<104x128xf32, #tpu.memory_space<hbm>>
      tpu.enqueue_dma source(%arg7 : memref<104x128xf32, #tpu.memory_space<vmem>>) target(%dma_start3A_150 : memref<104x128xf32, #tpu.memory_space<hbm>>) target_semaphore(%arg23 : memref<!tpu.dma_semaphore, #tpu.memory_space<semaphore_mem>>)
      %add3A_151 = arith.constant 8 : i32
      %add3A_152 = arith.addi %add3A_137, %add3A_151 : i32
      %lt3A_153 = arith.constant 128 : i32
      %lt3A_154 = arith.cmpi slt, %add3A_152, %lt3A_153 : i32
      %convert_element_type3A_155 = arith.extui %lt3A_154 : i1 to i32
      %cond3A_156 = arith.constant 0 : i32
      %cond3A_157 = arith.cmpi ne, %convert_element_type3A_155, %cond3A_156 : i32
      scf.if %cond3A_157 {
        %mul3A_303 = arith.constant 104 : i32
        %mul3A_304 = arith.muli %add3A_137, %mul3A_303 : i32
        %add3A_305 = arith.addi %mul3A_2, %mul3A_304 : i32
        %dma_wait3A_306 = arith.constant 0 : i32
        %dma_wait3A_307 = tpu.memref_slice %arg4[%add3A_305, %dma_wait3A_306] : memref<425984x128xf32, #tpu.memory_space<hbm>> -> memref<104x128xf32, #tpu.memory_space<hbm>>
        %dma_wait3A_308 = arith.constant 0 : i32
        %dma_wait3A_309 = tpu.memref_slice %arg4[%add3A_305, %dma_wait3A_308] : memref<425984x128xf32, #tpu.memory_space<hbm>> -> memref<104x128xf32, #tpu.memory_space<hbm>>
        tpu.wait_dma2 semaphore(%arg23 : memref<!tpu.dma_semaphore, #tpu.memory_space<semaphore_mem>>) src(%arg7 : memref<104x128xf32, #tpu.memory_space<vmem>>) dst(%dma_wait3A_309 : memref<104x128xf32, #tpu.memory_space<hbm>>)
        %dma_start3A_310 = arith.constant 0 : i32
        %dma_start3A_311 = tpu.memref_slice %arg5[%add3A_152, %dma_start3A_310] : memref<128x104xi32, #tpu.memory_space<vmem>> -> memref<1x104xi32, #tpu.memory_space<vmem>>
        %dma_start3A_312 = tpu.memref_squeeze %dma_start3A_311 : memref<1x104xi32, #tpu.memory_space<vmem>> -> memref<104xi32, #tpu.memory_space<vmem>>
        %dma_start3A_313 = arith.constant 0 : i32
        %dma_start3A_314 = arith.constant 0 : i32
        %dma_start3A_315 = tpu.memref_slice %arg2[%dma_start3A_313, %dma_start3A_314] : memref<100001x128xf32, #tpu.memory_space<hbm>> -> memref<100001x128xf32, #tpu.memory_space<hbm>>
        tpu.enqueue_indirect_dma source(%dma_start3A_315 : memref<100001x128xf32, #tpu.memory_space<hbm>>) target(%arg7 : memref<104x128xf32, #tpu.memory_space<vmem>>) offsets(%dma_start3A_312 : memref<104xi32, #tpu.memory_space<vmem>>) semaphore(%arg15 : memref<!tpu.dma_semaphore, #tpu.memory_space<semaphore_mem>>)
      } else {
      }
      %mul3A_158 = arith.constant 8 : i32
      %mul3A_159 = arith.muli %scan3A_111, %mul3A_158 : i32
      %add3A_160 = arith.constant 2 : i32
      %add3A_161 = arith.addi %mul3A_159, %add3A_160 : i32
      %dma_wait3A_162 = arith.constant 0 : i32
      %dma_wait3A_163 = tpu.memref_slice %arg5[%add3A_161, %dma_wait3A_162] : memref<128x104xi32, #tpu.memory_space<vmem>> -> memref<1x104xi32, #tpu.memory_space<vmem>>
      %dma_wait3A_164 = tpu.memref_squeeze %dma_wait3A_163 : memref<1x104xi32, #tpu.memory_space<vmem>> -> memref<104xi32, #tpu.memory_space<vmem>>
      %dma_wait3A_165 = arith.constant 0 : i32
      %dma_wait3A_166 = arith.constant 0 : i32
      %dma_wait3A_167 = tpu.memref_slice %arg2[%dma_wait3A_165, %dma_wait3A_166] : memref<100001x128xf32, #tpu.memory_space<hbm>> -> memref<100001x128xf32, #tpu.memory_space<hbm>>
      tpu.wait_indirect_dma semaphore(%arg16 : memref<!tpu.dma_semaphore, #tpu.memory_space<semaphore_mem>>) src(%dma_wait3A_167 : memref<100001x128xf32, #tpu.memory_space<hbm>>) dst(%arg8 : memref<104x128xf32, #tpu.memory_space<vmem>>)
      %mul3A_168 = arith.constant 104 : i32
      %mul3A_169 = arith.muli %add3A_161, %mul3A_168 : i32
      %add3A_170 = arith.addi %mul3A_2, %mul3A_169 : i32
      %dma_start3A_171 = arith.constant 0 : i32
      %dma_start3A_172 = tpu.memref_slice %arg4[%add3A_170, %dma_start3A_171] : memref<425984x128xf32, #tpu.memory_space<hbm>> -> memref<104x128xf32, #tpu.memory_space<hbm>>
      %dma_start3A_173 = arith.constant 0 : i32
      %dma_start3A_174 = tpu.memref_slice %arg4[%add3A_170, %dma_start3A_173] : memref<425984x128xf32, #tpu.memory_space<hbm>> -> memref<104x128xf32, #tpu.memory_space<hbm>>
      tpu.enqueue_dma source(%arg8 : memref<104x128xf32, #tpu.memory_space<vmem>>) target(%dma_start3A_174 : memref<104x128xf32, #tpu.memory_space<hbm>>) target_semaphore(%arg24 : memref<!tpu.dma_semaphore, #tpu.memory_space<semaphore_mem>>)
      %add3A_175 = arith.constant 8 : i32
      %add3A_176 = arith.addi %add3A_161, %add3A_175 : i32
      %lt3A_177 = arith.constant 128 : i32
      %lt3A_178 = arith.cmpi slt, %add3A_176, %lt3A_177 : i32
      %convert_element_type3A_179 = arith.extui %lt3A_178 : i1 to i32
      %cond3A_180 = arith.constant 0 : i32
      %cond3A_181 = arith.cmpi ne, %convert_element_type3A_179, %cond3A_180 : i32
      scf.if %cond3A_181 {
        %mul3A_303 = arith.constant 104 : i32
        %mul3A_304 = arith.muli %add3A_161, %mul3A_303 : i32
        %add3A_305 = arith.addi %mul3A_2, %mul3A_304 : i32
        %dma_wait3A_306 = arith.constant 0 : i32
        %dma_wait3A_307 = tpu.memref_slice %arg4[%add3A_305, %dma_wait3A_306] : memref<425984x128xf32, #tpu.memory_space<hbm>> -> memref<104x128xf32, #tpu.memory_space<hbm>>
        %dma_wait3A_308 = arith.constant 0 : i32
        %dma_wait3A_309 = tpu.memref_slice %arg4[%add3A_305, %dma_wait3A_308] : memref<425984x128xf32, #tpu.memory_space<hbm>> -> memref<104x128xf32, #tpu.memory_space<hbm>>
        tpu.wait_dma2 semaphore(%arg24 : memref<!tpu.dma_semaphore, #tpu.memory_space<semaphore_mem>>) src(%arg8 : memref<104x128xf32, #tpu.memory_space<vmem>>) dst(%dma_wait3A_309 : memref<104x128xf32, #tpu.memory_space<hbm>>)
        %dma_start3A_310 = arith.constant 0 : i32
        %dma_start3A_311 = tpu.memref_slice %arg5[%add3A_176, %dma_start3A_310] : memref<128x104xi32, #tpu.memory_space<vmem>> -> memref<1x104xi32, #tpu.memory_space<vmem>>
        %dma_start3A_312 = tpu.memref_squeeze %dma_start3A_311 : memref<1x104xi32, #tpu.memory_space<vmem>> -> memref<104xi32, #tpu.memory_space<vmem>>
        %dma_start3A_313 = arith.constant 0 : i32
        %dma_start3A_314 = arith.constant 0 : i32
        %dma_start3A_315 = tpu.memref_slice %arg2[%dma_start3A_313, %dma_start3A_314] : memref<100001x128xf32, #tpu.memory_space<hbm>> -> memref<100001x128xf32, #tpu.memory_space<hbm>>
        tpu.enqueue_indirect_dma source(%dma_start3A_315 : memref<100001x128xf32, #tpu.memory_space<hbm>>) target(%arg8 : memref<104x128xf32, #tpu.memory_space<vmem>>) offsets(%dma_start3A_312 : memref<104xi32, #tpu.memory_space<vmem>>) semaphore(%arg16 : memref<!tpu.dma_semaphore, #tpu.memory_space<semaphore_mem>>)
      } else {
      }
      %mul3A_182 = arith.constant 8 : i32
      %mul3A_183 = arith.muli %scan3A_111, %mul3A_182 : i32
      %add3A_184 = arith.constant 3 : i32
      %add3A_185 = arith.addi %mul3A_183, %add3A_184 : i32
      %dma_wait3A_186 = arith.constant 0 : i32
      %dma_wait3A_187 = tpu.memref_slice %arg5[%add3A_185, %dma_wait3A_186] : memref<128x104xi32, #tpu.memory_space<vmem>> -> memref<1x104xi32, #tpu.memory_space<vmem>>
      %dma_wait3A_188 = tpu.memref_squeeze %dma_wait3A_187 : memref<1x104xi32, #tpu.memory_space<vmem>> -> memref<104xi32, #tpu.memory_space<vmem>>
      %dma_wait3A_189 = arith.constant 0 : i32
      %dma_wait3A_190 = arith.constant 0 : i32
      %dma_wait3A_191 = tpu.memref_slice %arg2[%dma_wait3A_189, %dma_wait3A_190] : memref<100001x128xf32, #tpu.memory_space<hbm>> -> memref<100001x128xf32, #tpu.memory_space<hbm>>
      tpu.wait_indirect_dma semaphore(%arg17 : memref<!tpu.dma_semaphore, #tpu.memory_space<semaphore_mem>>) src(%dma_wait3A_191 : memref<100001x128xf32, #tpu.memory_space<hbm>>) dst(%arg9 : memref<104x128xf32, #tpu.memory_space<vmem>>)
      %mul3A_192 = arith.constant 104 : i32
      %mul3A_193 = arith.muli %add3A_185, %mul3A_192 : i32
      %add3A_194 = arith.addi %mul3A_2, %mul3A_193 : i32
      %dma_start3A_195 = arith.constant 0 : i32
      %dma_start3A_196 = tpu.memref_slice %arg4[%add3A_194, %dma_start3A_195] : memref<425984x128xf32, #tpu.memory_space<hbm>> -> memref<104x128xf32, #tpu.memory_space<hbm>>
      %dma_start3A_197 = arith.constant 0 : i32
      %dma_start3A_198 = tpu.memref_slice %arg4[%add3A_194, %dma_start3A_197] : memref<425984x128xf32, #tpu.memory_space<hbm>> -> memref<104x128xf32, #tpu.memory_space<hbm>>
      tpu.enqueue_dma source(%arg9 : memref<104x128xf32, #tpu.memory_space<vmem>>) target(%dma_start3A_198 : memref<104x128xf32, #tpu.memory_space<hbm>>) target_semaphore(%arg25 : memref<!tpu.dma_semaphore, #tpu.memory_space<semaphore_mem>>)
      %add3A_199 = arith.constant 8 : i32
      %add3A_200 = arith.addi %add3A_185, %add3A_199 : i32
      %lt3A_201 = arith.constant 128 : i32
      %lt3A_202 = arith.cmpi slt, %add3A_200, %lt3A_201 : i32
      %convert_element_type3A_203 = arith.extui %lt3A_202 : i1 to i32
      %cond3A_204 = arith.constant 0 : i32
      %cond3A_205 = arith.cmpi ne, %convert_element_type3A_203, %cond3A_204 : i32
      scf.if %cond3A_205 {
        %mul3A_303 = arith.constant 104 : i32
        %mul3A_304 = arith.muli %add3A_185, %mul3A_303 : i32
        %add3A_305 = arith.addi %mul3A_2, %mul3A_304 : i32
        %dma_wait3A_306 = arith.constant 0 : i32
        %dma_wait3A_307 = tpu.memref_slice %arg4[%add3A_305, %dma_wait3A_306] : memref<425984x128xf32, #tpu.memory_space<hbm>> -> memref<104x128xf32, #tpu.memory_space<hbm>>
        %dma_wait3A_308 = arith.constant 0 : i32
        %dma_wait3A_309 = tpu.memref_slice %arg4[%add3A_305, %dma_wait3A_308] : memref<425984x128xf32, #tpu.memory_space<hbm>> -> memref<104x128xf32, #tpu.memory_space<hbm>>
        tpu.wait_dma2 semaphore(%arg25 : memref<!tpu.dma_semaphore, #tpu.memory_space<semaphore_mem>>) src(%arg9 : memref<104x128xf32, #tpu.memory_space<vmem>>) dst(%dma_wait3A_309 : memref<104x128xf32, #tpu.memory_space<hbm>>)
        %dma_start3A_310 = arith.constant 0 : i32
        %dma_start3A_311 = tpu.memref_slice %arg5[%add3A_200, %dma_start3A_310] : memref<128x104xi32, #tpu.memory_space<vmem>> -> memref<1x104xi32, #tpu.memory_space<vmem>>
        %dma_start3A_312 = tpu.memref_squeeze %dma_start3A_311 : memref<1x104xi32, #tpu.memory_space<vmem>> -> memref<104xi32, #tpu.memory_space<vmem>>
        %dma_start3A_313 = arith.constant 0 : i32
        %dma_start3A_314 = arith.constant 0 : i32
        %dma_start3A_315 = tpu.memref_slice %arg2[%dma_start3A_313, %dma_start3A_314] : memref<100001x128xf32, #tpu.memory_space<hbm>> -> memref<100001x128xf32, #tpu.memory_space<hbm>>
        tpu.enqueue_indirect_dma source(%dma_start3A_315 : memref<100001x128xf32, #tpu.memory_space<hbm>>) target(%arg9 : memref<104x128xf32, #tpu.memory_space<vmem>>) offsets(%dma_start3A_312 : memref<104xi32, #tpu.memory_space<vmem>>) semaphore(%arg17 : memref<!tpu.dma_semaphore, #tpu.memory_space<semaphore_mem>>)
      } else {
      }
      %mul3A_206 = arith.constant 8 : i32
      %mul3A_207 = arith.muli %scan3A_111, %mul3A_206 : i32
      %add3A_208 = arith.constant 4 : i32
      %add3A_209 = arith.addi %mul3A_207, %add3A_208 : i32
      %dma_wait3A_210 = arith.constant 0 : i32
      %dma_wait3A_211 = tpu.memref_slice %arg5[%add3A_209, %dma_wait3A_210] : memref<128x104xi32, #tpu.memory_space<vmem>> -> memref<1x104xi32, #tpu.memory_space<vmem>>
      %dma_wait3A_212 = tpu.memref_squeeze %dma_wait3A_211 : memref<1x104xi32, #tpu.memory_space<vmem>> -> memref<104xi32, #tpu.memory_space<vmem>>
      %dma_wait3A_213 = arith.constant 0 : i32
      %dma_wait3A_214 = arith.constant 0 : i32
      %dma_wait3A_215 = tpu.memref_slice %arg2[%dma_wait3A_213, %dma_wait3A_214] : memref<100001x128xf32, #tpu.memory_space<hbm>> -> memref<100001x128xf32, #tpu.memory_space<hbm>>
      tpu.wait_indirect_dma semaphore(%arg18 : memref<!tpu.dma_semaphore, #tpu.memory_space<semaphore_mem>>) src(%dma_wait3A_215 : memref<100001x128xf32, #tpu.memory_space<hbm>>) dst(%arg10 : memref<104x128xf32, #tpu.memory_space<vmem>>)
      %mul3A_216 = arith.constant 104 : i32
      %mul3A_217 = arith.muli %add3A_209, %mul3A_216 : i32
      %add3A_218 = arith.addi %mul3A_2, %mul3A_217 : i32
      %dma_start3A_219 = arith.constant 0 : i32
      %dma_start3A_220 = tpu.memref_slice %arg4[%add3A_218, %dma_start3A_219] : memref<425984x128xf32, #tpu.memory_space<hbm>> -> memref<104x128xf32, #tpu.memory_space<hbm>>
      %dma_start3A_221 = arith.constant 0 : i32
      %dma_start3A_222 = tpu.memref_slice %arg4[%add3A_218, %dma_start3A_221] : memref<425984x128xf32, #tpu.memory_space<hbm>> -> memref<104x128xf32, #tpu.memory_space<hbm>>
      tpu.enqueue_dma source(%arg10 : memref<104x128xf32, #tpu.memory_space<vmem>>) target(%dma_start3A_222 : memref<104x128xf32, #tpu.memory_space<hbm>>) target_semaphore(%arg26 : memref<!tpu.dma_semaphore, #tpu.memory_space<semaphore_mem>>)
      %add3A_223 = arith.constant 8 : i32
      %add3A_224 = arith.addi %add3A_209, %add3A_223 : i32
      %lt3A_225 = arith.constant 128 : i32
      %lt3A_226 = arith.cmpi slt, %add3A_224, %lt3A_225 : i32
      %convert_element_type3A_227 = arith.extui %lt3A_226 : i1 to i32
      %cond3A_228 = arith.constant 0 : i32
      %cond3A_229 = arith.cmpi ne, %convert_element_type3A_227, %cond3A_228 : i32
      scf.if %cond3A_229 {
        %mul3A_303 = arith.constant 104 : i32
        %mul3A_304 = arith.muli %add3A_209, %mul3A_303 : i32
        %add3A_305 = arith.addi %mul3A_2, %mul3A_304 : i32
        %dma_wait3A_306 = arith.constant 0 : i32
        %dma_wait3A_307 = tpu.memref_slice %arg4[%add3A_305, %dma_wait3A_306] : memref<425984x128xf32, #tpu.memory_space<hbm>> -> memref<104x128xf32, #tpu.memory_space<hbm>>
        %dma_wait3A_308 = arith.constant 0 : i32
        %dma_wait3A_309 = tpu.memref_slice %arg4[%add3A_305, %dma_wait3A_308] : memref<425984x128xf32, #tpu.memory_space<hbm>> -> memref<104x128xf32, #tpu.memory_space<hbm>>
        tpu.wait_dma2 semaphore(%arg26 : memref<!tpu.dma_semaphore, #tpu.memory_space<semaphore_mem>>) src(%arg10 : memref<104x128xf32, #tpu.memory_space<vmem>>) dst(%dma_wait3A_309 : memref<104x128xf32, #tpu.memory_space<hbm>>)
        %dma_start3A_310 = arith.constant 0 : i32
        %dma_start3A_311 = tpu.memref_slice %arg5[%add3A_224, %dma_start3A_310] : memref<128x104xi32, #tpu.memory_space<vmem>> -> memref<1x104xi32, #tpu.memory_space<vmem>>
        %dma_start3A_312 = tpu.memref_squeeze %dma_start3A_311 : memref<1x104xi32, #tpu.memory_space<vmem>> -> memref<104xi32, #tpu.memory_space<vmem>>
        %dma_start3A_313 = arith.constant 0 : i32
        %dma_start3A_314 = arith.constant 0 : i32
        %dma_start3A_315 = tpu.memref_slice %arg2[%dma_start3A_313, %dma_start3A_314] : memref<100001x128xf32, #tpu.memory_space<hbm>> -> memref<100001x128xf32, #tpu.memory_space<hbm>>
        tpu.enqueue_indirect_dma source(%dma_start3A_315 : memref<100001x128xf32, #tpu.memory_space<hbm>>) target(%arg10 : memref<104x128xf32, #tpu.memory_space<vmem>>) offsets(%dma_start3A_312 : memref<104xi32, #tpu.memory_space<vmem>>) semaphore(%arg18 : memref<!tpu.dma_semaphore, #tpu.memory_space<semaphore_mem>>)
      } else {
      }
      %mul3A_230 = arith.constant 8 : i32
      %mul3A_231 = arith.muli %scan3A_111, %mul3A_230 : i32
      %add3A_232 = arith.constant 5 : i32
      %add3A_233 = arith.addi %mul3A_231, %add3A_232 : i32
      %dma_wait3A_234 = arith.constant 0 : i32
      %dma_wait3A_235 = tpu.memref_slice %arg5[%add3A_233, %dma_wait3A_234] : memref<128x104xi32, #tpu.memory_space<vmem>> -> memref<1x104xi32, #tpu.memory_space<vmem>>
      %dma_wait3A_236 = tpu.memref_squeeze %dma_wait3A_235 : memref<1x104xi32, #tpu.memory_space<vmem>> -> memref<104xi32, #tpu.memory_space<vmem>>
      %dma_wait3A_237 = arith.constant 0 : i32
      %dma_wait3A_238 = arith.constant 0 : i32
      %dma_wait3A_239 = tpu.memref_slice %arg2[%dma_wait3A_237, %dma_wait3A_238] : memref<100001x128xf32, #tpu.memory_space<hbm>> -> memref<100001x128xf32, #tpu.memory_space<hbm>>
      tpu.wait_indirect_dma semaphore(%arg19 : memref<!tpu.dma_semaphore, #tpu.memory_space<semaphore_mem>>) src(%dma_wait3A_239 : memref<100001x128xf32, #tpu.memory_space<hbm>>) dst(%arg11 : memref<104x128xf32, #tpu.memory_space<vmem>>)
      %mul3A_240 = arith.constant 104 : i32
      %mul3A_241 = arith.muli %add3A_233, %mul3A_240 : i32
      %add3A_242 = arith.addi %mul3A_2, %mul3A_241 : i32
      %dma_start3A_243 = arith.constant 0 : i32
      %dma_start3A_244 = tpu.memref_slice %arg4[%add3A_242, %dma_start3A_243] : memref<425984x128xf32, #tpu.memory_space<hbm>> -> memref<104x128xf32, #tpu.memory_space<hbm>>
      %dma_start3A_245 = arith.constant 0 : i32
      %dma_start3A_246 = tpu.memref_slice %arg4[%add3A_242, %dma_start3A_245] : memref<425984x128xf32, #tpu.memory_space<hbm>> -> memref<104x128xf32, #tpu.memory_space<hbm>>
      tpu.enqueue_dma source(%arg11 : memref<104x128xf32, #tpu.memory_space<vmem>>) target(%dma_start3A_246 : memref<104x128xf32, #tpu.memory_space<hbm>>) target_semaphore(%arg27 : memref<!tpu.dma_semaphore, #tpu.memory_space<semaphore_mem>>)
      %add3A_247 = arith.constant 8 : i32
      %add3A_248 = arith.addi %add3A_233, %add3A_247 : i32
      %lt3A_249 = arith.constant 128 : i32
      %lt3A_250 = arith.cmpi slt, %add3A_248, %lt3A_249 : i32
      %convert_element_type3A_251 = arith.extui %lt3A_250 : i1 to i32
      %cond3A_252 = arith.constant 0 : i32
      %cond3A_253 = arith.cmpi ne, %convert_element_type3A_251, %cond3A_252 : i32
      scf.if %cond3A_253 {
        %mul3A_303 = arith.constant 104 : i32
        %mul3A_304 = arith.muli %add3A_233, %mul3A_303 : i32
        %add3A_305 = arith.addi %mul3A_2, %mul3A_304 : i32
        %dma_wait3A_306 = arith.constant 0 : i32
        %dma_wait3A_307 = tpu.memref_slice %arg4[%add3A_305, %dma_wait3A_306] : memref<425984x128xf32, #tpu.memory_space<hbm>> -> memref<104x128xf32, #tpu.memory_space<hbm>>
        %dma_wait3A_308 = arith.constant 0 : i32
        %dma_wait3A_309 = tpu.memref_slice %arg4[%add3A_305, %dma_wait3A_308] : memref<425984x128xf32, #tpu.memory_space<hbm>> -> memref<104x128xf32, #tpu.memory_space<hbm>>
        tpu.wait_dma2 semaphore(%arg27 : memref<!tpu.dma_semaphore, #tpu.memory_space<semaphore_mem>>) src(%arg11 : memref<104x128xf32, #tpu.memory_space<vmem>>) dst(%dma_wait3A_309 : memref<104x128xf32, #tpu.memory_space<hbm>>)
        %dma_start3A_310 = arith.constant 0 : i32
        %dma_start3A_311 = tpu.memref_slice %arg5[%add3A_248, %dma_start3A_310] : memref<128x104xi32, #tpu.memory_space<vmem>> -> memref<1x104xi32, #tpu.memory_space<vmem>>
        %dma_start3A_312 = tpu.memref_squeeze %dma_start3A_311 : memref<1x104xi32, #tpu.memory_space<vmem>> -> memref<104xi32, #tpu.memory_space<vmem>>
        %dma_start3A_313 = arith.constant 0 : i32
        %dma_start3A_314 = arith.constant 0 : i32
        %dma_start3A_315 = tpu.memref_slice %arg2[%dma_start3A_313, %dma_start3A_314] : memref<100001x128xf32, #tpu.memory_space<hbm>> -> memref<100001x128xf32, #tpu.memory_space<hbm>>
        tpu.enqueue_indirect_dma source(%dma_start3A_315 : memref<100001x128xf32, #tpu.memory_space<hbm>>) target(%arg11 : memref<104x128xf32, #tpu.memory_space<vmem>>) offsets(%dma_start3A_312 : memref<104xi32, #tpu.memory_space<vmem>>) semaphore(%arg19 : memref<!tpu.dma_semaphore, #tpu.memory_space<semaphore_mem>>)
      } else {
      }
      %mul3A_254 = arith.constant 8 : i32
      %mul3A_255 = arith.muli %scan3A_111, %mul3A_254 : i32
      %add3A_256 = arith.constant 6 : i32
      %add3A_257 = arith.addi %mul3A_255, %add3A_256 : i32
      %dma_wait3A_258 = arith.constant 0 : i32
      %dma_wait3A_259 = tpu.memref_slice %arg5[%add3A_257, %dma_wait3A_258] : memref<128x104xi32, #tpu.memory_space<vmem>> -> memref<1x104xi32, #tpu.memory_space<vmem>>
      %dma_wait3A_260 = tpu.memref_squeeze %dma_wait3A_259 : memref<1x104xi32, #tpu.memory_space<vmem>> -> memref<104xi32, #tpu.memory_space<vmem>>
      %dma_wait3A_261 = arith.constant 0 : i32
      %dma_wait3A_262 = arith.constant 0 : i32
      %dma_wait3A_263 = tpu.memref_slice %arg2[%dma_wait3A_261, %dma_wait3A_262] : memref<100001x128xf32, #tpu.memory_space<hbm>> -> memref<100001x128xf32, #tpu.memory_space<hbm>>
      tpu.wait_indirect_dma semaphore(%arg20 : memref<!tpu.dma_semaphore, #tpu.memory_space<semaphore_mem>>) src(%dma_wait3A_263 : memref<100001x128xf32, #tpu.memory_space<hbm>>) dst(%arg12 : memref<104x128xf32, #tpu.memory_space<vmem>>)
      %mul3A_264 = arith.constant 104 : i32
      %mul3A_265 = arith.muli %add3A_257, %mul3A_264 : i32
      %add3A_266 = arith.addi %mul3A_2, %mul3A_265 : i32
      %dma_start3A_267 = arith.constant 0 : i32
      %dma_start3A_268 = tpu.memref_slice %arg4[%add3A_266, %dma_start3A_267] : memref<425984x128xf32, #tpu.memory_space<hbm>> -> memref<104x128xf32, #tpu.memory_space<hbm>>
      %dma_start3A_269 = arith.constant 0 : i32
      %dma_start3A_270 = tpu.memref_slice %arg4[%add3A_266, %dma_start3A_269] : memref<425984x128xf32, #tpu.memory_space<hbm>> -> memref<104x128xf32, #tpu.memory_space<hbm>>
      tpu.enqueue_dma source(%arg12 : memref<104x128xf32, #tpu.memory_space<vmem>>) target(%dma_start3A_270 : memref<104x128xf32, #tpu.memory_space<hbm>>) target_semaphore(%arg28 : memref<!tpu.dma_semaphore, #tpu.memory_space<semaphore_mem>>)
      %add3A_271 = arith.constant 8 : i32
      %add3A_272 = arith.addi %add3A_257, %add3A_271 : i32
      %lt3A_273 = arith.constant 128 : i32
      %lt3A_274 = arith.cmpi slt, %add3A_272, %lt3A_273 : i32
      %convert_element_type3A_275 = arith.extui %lt3A_274 : i1 to i32
      %cond3A_276 = arith.constant 0 : i32
      %cond3A_277 = arith.cmpi ne, %convert_element_type3A_275, %cond3A_276 : i32
      scf.if %cond3A_277 {
        %mul3A_303 = arith.constant 104 : i32
        %mul3A_304 = arith.muli %add3A_257, %mul3A_303 : i32
        %add3A_305 = arith.addi %mul3A_2, %mul3A_304 : i32
        %dma_wait3A_306 = arith.constant 0 : i32
        %dma_wait3A_307 = tpu.memref_slice %arg4[%add3A_305, %dma_wait3A_306] : memref<425984x128xf32, #tpu.memory_space<hbm>> -> memref<104x128xf32, #tpu.memory_space<hbm>>
        %dma_wait3A_308 = arith.constant 0 : i32
        %dma_wait3A_309 = tpu.memref_slice %arg4[%add3A_305, %dma_wait3A_308] : memref<425984x128xf32, #tpu.memory_space<hbm>> -> memref<104x128xf32, #tpu.memory_space<hbm>>
        tpu.wait_dma2 semaphore(%arg28 : memref<!tpu.dma_semaphore, #tpu.memory_space<semaphore_mem>>) src(%arg12 : memref<104x128xf32, #tpu.memory_space<vmem>>) dst(%dma_wait3A_309 : memref<104x128xf32, #tpu.memory_space<hbm>>)
        %dma_start3A_310 = arith.constant 0 : i32
        %dma_start3A_311 = tpu.memref_slice %arg5[%add3A_272, %dma_start3A_310] : memref<128x104xi32, #tpu.memory_space<vmem>> -> memref<1x104xi32, #tpu.memory_space<vmem>>
        %dma_start3A_312 = tpu.memref_squeeze %dma_start3A_311 : memref<1x104xi32, #tpu.memory_space<vmem>> -> memref<104xi32, #tpu.memory_space<vmem>>
        %dma_start3A_313 = arith.constant 0 : i32
        %dma_start3A_314 = arith.constant 0 : i32
        %dma_start3A_315 = tpu.memref_slice %arg2[%dma_start3A_313, %dma_start3A_314] : memref<100001x128xf32, #tpu.memory_space<hbm>> -> memref<100001x128xf32, #tpu.memory_space<hbm>>
        tpu.enqueue_indirect_dma source(%dma_start3A_315 : memref<100001x128xf32, #tpu.memory_space<hbm>>) target(%arg12 : memref<104x128xf32, #tpu.memory_space<vmem>>) offsets(%dma_start3A_312 : memref<104xi32, #tpu.memory_space<vmem>>) semaphore(%arg20 : memref<!tpu.dma_semaphore, #tpu.memory_space<semaphore_mem>>)
      } else {
      }
      %mul3A_278 = arith.constant 8 : i32
      %mul3A_279 = arith.muli %scan3A_111, %mul3A_278 : i32
      %add3A_280 = arith.constant 7 : i32
      %add3A_281 = arith.addi %mul3A_279, %add3A_280 : i32
      %dma_wait3A_282 = arith.constant 0 : i32
      %dma_wait3A_283 = tpu.memref_slice %arg5[%add3A_281, %dma_wait3A_282] : memref<128x104xi32, #tpu.memory_space<vmem>> -> memref<1x104xi32, #tpu.memory_space<vmem>>
      %dma_wait3A_284 = tpu.memref_squeeze %dma_wait3A_283 : memref<1x104xi32, #tpu.memory_space<vmem>> -> memref<104xi32, #tpu.memory_space<vmem>>
      %dma_wait3A_285 = arith.constant 0 : i32
      %dma_wait3A_286 = arith.constant 0 : i32
      %dma_wait3A_287 = tpu.memref_slice %arg2[%dma_wait3A_285, %dma_wait3A_286] : memref<100001x128xf32, #tpu.memory_space<hbm>> -> memref<100001x128xf32, #tpu.memory_space<hbm>>
      tpu.wait_indirect_dma semaphore(%arg21 : memref<!tpu.dma_semaphore, #tpu.memory_space<semaphore_mem>>) src(%dma_wait3A_287 : memref<100001x128xf32, #tpu.memory_space<hbm>>) dst(%arg13 : memref<104x128xf32, #tpu.memory_space<vmem>>)
      %mul3A_288 = arith.constant 104 : i32
      %mul3A_289 = arith.muli %add3A_281, %mul3A_288 : i32
      %add3A_290 = arith.addi %mul3A_2, %mul3A_289 : i32
      %dma_start3A_291 = arith.constant 0 : i32
      %dma_start3A_292 = tpu.memref_slice %arg4[%add3A_290, %dma_start3A_291] : memref<425984x128xf32, #tpu.memory_space<hbm>> -> memref<104x128xf32, #tpu.memory_space<hbm>>
      %dma_start3A_293 = arith.constant 0 : i32
      %dma_start3A_294 = tpu.memref_slice %arg4[%add3A_290, %dma_start3A_293] : memref<425984x128xf32, #tpu.memory_space<hbm>> -> memref<104x128xf32, #tpu.memory_space<hbm>>
      tpu.enqueue_dma source(%arg13 : memref<104x128xf32, #tpu.memory_space<vmem>>) target(%dma_start3A_294 : memref<104x128xf32, #tpu.memory_space<hbm>>) target_semaphore(%arg29 : memref<!tpu.dma_semaphore, #tpu.memory_space<semaphore_mem>>)
      %add3A_295 = arith.constant 8 : i32
      %add3A_296 = arith.addi %add3A_281, %add3A_295 : i32
      %lt3A_297 = arith.constant 128 : i32
      %lt3A_298 = arith.cmpi slt, %add3A_296, %lt3A_297 : i32
      %convert_element_type3A_299 = arith.extui %lt3A_298 : i1 to i32
      %cond3A_300 = arith.constant 0 : i32
      %cond3A_301 = arith.cmpi ne, %convert_element_type3A_299, %cond3A_300 : i32
      scf.if %cond3A_301 {
        %mul3A_303 = arith.constant 104 : i32
        %mul3A_304 = arith.muli %add3A_281, %mul3A_303 : i32
        %add3A_305 = arith.addi %mul3A_2, %mul3A_304 : i32
        %dma_wait3A_306 = arith.constant 0 : i32
        %dma_wait3A_307 = tpu.memref_slice %arg4[%add3A_305, %dma_wait3A_306] : memref<425984x128xf32, #tpu.memory_space<hbm>> -> memref<104x128xf32, #tpu.memory_space<hbm>>
        %dma_wait3A_308 = arith.constant 0 : i32
        %dma_wait3A_309 = tpu.memref_slice %arg4[%add3A_305, %dma_wait3A_308] : memref<425984x128xf32, #tpu.memory_space<hbm>> -> memref<104x128xf32, #tpu.memory_space<hbm>>
        tpu.wait_dma2 semaphore(%arg29 : memref<!tpu.dma_semaphore, #tpu.memory_space<semaphore_mem>>) src(%arg13 : memref<104x128xf32, #tpu.memory_space<vmem>>) dst(%dma_wait3A_309 : memref<104x128xf32, #tpu.memory_space<hbm>>)
        %dma_start3A_310 = arith.constant 0 : i32
        %dma_start3A_311 = tpu.memref_slice %arg5[%add3A_296, %dma_start3A_310] : memref<128x104xi32, #tpu.memory_space<vmem>> -> memref<1x104xi32, #tpu.memory_space<vmem>>
        %dma_start3A_312 = tpu.memref_squeeze %dma_start3A_311 : memref<1x104xi32, #tpu.memory_space<vmem>> -> memref<104xi32, #tpu.memory_space<vmem>>
        %dma_start3A_313 = arith.constant 0 : i32
        %dma_start3A_314 = arith.constant 0 : i32
        %dma_start3A_315 = tpu.memref_slice %arg2[%dma_start3A_313, %dma_start3A_314] : memref<100001x128xf32, #tpu.memory_space<hbm>> -> memref<100001x128xf32, #tpu.memory_space<hbm>>
        tpu.enqueue_indirect_dma source(%dma_start3A_315 : memref<100001x128xf32, #tpu.memory_space<hbm>>) target(%arg13 : memref<104x128xf32, #tpu.memory_space<vmem>>) offsets(%dma_start3A_312 : memref<104xi32, #tpu.memory_space<vmem>>) semaphore(%arg21 : memref<!tpu.dma_semaphore, #tpu.memory_space<semaphore_mem>>)
      } else {
      }
      %scan3A_302 = arith.constant 0 : i32
      scf.yield %scan3A_302 : i32
    }
    %scan3A_63 = arith.constant 16 : i32
    %add3A_64 = arith.constant 12480 : i32
    %add3A_65 = arith.addi %mul3A_2, %add3A_64 : i32
    %dma_wait3A = arith.constant 0 : i32
    %dma_wait3A_66 = tpu.memref_slice %arg4[%add3A_65, %dma_wait3A] : memref<425984x128xf32, #tpu.memory_space<hbm>> -> memref<104x128xf32, #tpu.memory_space<hbm>>
    %dma_wait3A_67 = arith.constant 0 : i32
    %dma_wait3A_68 = tpu.memref_slice %arg4[%add3A_65, %dma_wait3A_67] : memref<425984x128xf32, #tpu.memory_space<hbm>> -> memref<104x128xf32, #tpu.memory_space<hbm>>
    tpu.wait_dma2 semaphore(%arg22 : memref<!tpu.dma_semaphore, #tpu.memory_space<semaphore_mem>>) src(%arg6 : memref<104x128xf32, #tpu.memory_space<vmem>>) dst(%dma_wait3A_68 : memref<104x128xf32, #tpu.memory_space<hbm>>)
    %add3A_69 = arith.constant 12584 : i32
    %add3A_70 = arith.addi %mul3A_2, %add3A_69 : i32
    %dma_wait3A_71 = arith.constant 0 : i32
    %dma_wait3A_72 = tpu.memref_slice %arg4[%add3A_70, %dma_wait3A_71] : memref<425984x128xf32, #tpu.memory_space<hbm>> -> memref<104x128xf32, #tpu.memory_space<hbm>>
    %dma_wait3A_73 = arith.constant 0 : i32
    %dma_wait3A_74 = tpu.memref_slice %arg4[%add3A_70, %dma_wait3A_73] : memref<425984x128xf32, #tpu.memory_space<hbm>> -> memref<104x128xf32, #tpu.memory_space<hbm>>
    tpu.wait_dma2 semaphore(%arg23 : memref<!tpu.dma_semaphore, #tpu.memory_space<semaphore_mem>>) src(%arg7 : memref<104x128xf32, #tpu.memory_space<vmem>>) dst(%dma_wait3A_74 : memref<104x128xf32, #tpu.memory_space<hbm>>)
    %add3A_75 = arith.constant 12688 : i32
    %add3A_76 = arith.addi %mul3A_2, %add3A_75 : i32
    %dma_wait3A_77 = arith.constant 0 : i32
    %dma_wait3A_78 = tpu.memref_slice %arg4[%add3A_76, %dma_wait3A_77] : memref<425984x128xf32, #tpu.memory_space<hbm>> -> memref<104x128xf32, #tpu.memory_space<hbm>>
    %dma_wait3A_79 = arith.constant 0 : i32
    %dma_wait3A_80 = tpu.memref_slice %arg4[%add3A_76, %dma_wait3A_79] : memref<425984x128xf32, #tpu.memory_space<hbm>> -> memref<104x128xf32, #tpu.memory_space<hbm>>
    tpu.wait_dma2 semaphore(%arg24 : memref<!tpu.dma_semaphore, #tpu.memory_space<semaphore_mem>>) src(%arg8 : memref<104x128xf32, #tpu.memory_space<vmem>>) dst(%dma_wait3A_80 : memref<104x128xf32, #tpu.memory_space<hbm>>)
    %add3A_81 = arith.constant 12792 : i32
    %add3A_82 = arith.addi %mul3A_2, %add3A_81 : i32
    %dma_wait3A_83 = arith.constant 0 : i32
    %dma_wait3A_84 = tpu.memref_slice %arg4[%add3A_82, %dma_wait3A_83] : memref<425984x128xf32, #tpu.memory_space<hbm>> -> memref<104x128xf32, #tpu.memory_space<hbm>>
    %dma_wait3A_85 = arith.constant 0 : i32
    %dma_wait3A_86 = tpu.memref_slice %arg4[%add3A_82, %dma_wait3A_85] : memref<425984x128xf32, #tpu.memory_space<hbm>> -> memref<104x128xf32, #tpu.memory_space<hbm>>
    tpu.wait_dma2 semaphore(%arg25 : memref<!tpu.dma_semaphore, #tpu.memory_space<semaphore_mem>>) src(%arg9 : memref<104x128xf32, #tpu.memory_space<vmem>>) dst(%dma_wait3A_86 : memref<104x128xf32, #tpu.memory_space<hbm>>)
    %add3A_87 = arith.constant 12896 : i32
    %add3A_88 = arith.addi %mul3A_2, %add3A_87 : i32
    %dma_wait3A_89 = arith.constant 0 : i32
    %dma_wait3A_90 = tpu.memref_slice %arg4[%add3A_88, %dma_wait3A_89] : memref<425984x128xf32, #tpu.memory_space<hbm>> -> memref<104x128xf32, #tpu.memory_space<hbm>>
    %dma_wait3A_91 = arith.constant 0 : i32
    %dma_wait3A_92 = tpu.memref_slice %arg4[%add3A_88, %dma_wait3A_91] : memref<425984x128xf32, #tpu.memory_space<hbm>> -> memref<104x128xf32, #tpu.memory_space<hbm>>
    tpu.wait_dma2 semaphore(%arg26 : memref<!tpu.dma_semaphore, #tpu.memory_space<semaphore_mem>>) src(%arg10 : memref<104x128xf32, #tpu.memory_space<vmem>>) dst(%dma_wait3A_92 : memref<104x128xf32, #tpu.memory_space<hbm>>)
    %add3A_93 = arith.constant 13000 : i32
    %add3A_94 = arith.addi %mul3A_2, %add3A_93 : i32
    %dma_wait3A_95 = arith.constant 0 : i32
    %dma_wait3A_96 = tpu.memref_slice %arg4[%add3A_94, %dma_wait3A_95] : memref<425984x128xf32, #tpu.memory_space<hbm>> -> memref<104x128xf32, #tpu.memory_space<hbm>>
    %dma_wait3A_97 = arith.constant 0 : i32
    %dma_wait3A_98 = tpu.memref_slice %arg4[%add3A_94, %dma_wait3A_97] : memref<425984x128xf32, #tpu.memory_space<hbm>> -> memref<104x128xf32, #tpu.memory_space<hbm>>
    tpu.wait_dma2 semaphore(%arg27 : memref<!tpu.dma_semaphore, #tpu.memory_space<semaphore_mem>>) src(%arg11 : memref<104x128xf32, #tpu.memory_space<vmem>>) dst(%dma_wait3A_98 : memref<104x128xf32, #tpu.memory_space<hbm>>)
    %add3A_99 = arith.constant 13104 : i32
    %add3A_100 = arith.addi %mul3A_2, %add3A_99 : i32
    %dma_wait3A_101 = arith.constant 0 : i32
    %dma_wait3A_102 = tpu.memref_slice %arg4[%add3A_100, %dma_wait3A_101] : memref<425984x128xf32, #tpu.memory_space<hbm>> -> memref<104x128xf32, #tpu.memory_space<hbm>>
    %dma_wait3A_103 = arith.constant 0 : i32
    %dma_wait3A_104 = tpu.memref_slice %arg4[%add3A_100, %dma_wait3A_103] : memref<425984x128xf32, #tpu.memory_space<hbm>> -> memref<104x128xf32, #tpu.memory_space<hbm>>
    tpu.wait_dma2 semaphore(%arg28 : memref<!tpu.dma_semaphore, #tpu.memory_space<semaphore_mem>>) src(%arg12 : memref<104x128xf32, #tpu.memory_space<vmem>>) dst(%dma_wait3A_104 : memref<104x128xf32, #tpu.memory_space<hbm>>)
    %add3A_105 = arith.constant 13208 : i32
    %add3A_106 = arith.addi %mul3A_2, %add3A_105 : i32
    %dma_wait3A_107 = arith.constant 0 : i32
    %dma_wait3A_108 = tpu.memref_slice %arg4[%add3A_106, %dma_wait3A_107] : memref<425984x128xf32, #tpu.memory_space<hbm>> -> memref<104x128xf32, #tpu.memory_space<hbm>>
    %dma_wait3A_109 = arith.constant 0 : i32
    %dma_wait3A_110 = tpu.memref_slice %arg4[%add3A_106, %dma_wait3A_109] : memref<425984x128xf32, #tpu.memory_space<hbm>> -> memref<104x128xf32, #tpu.memory_space<hbm>>
    tpu.wait_dma2 semaphore(%arg29 : memref<!tpu.dma_semaphore, #tpu.memory_space<semaphore_mem>>) src(%arg13 : memref<104x128xf32, #tpu.memory_space<vmem>>) dst(%dma_wait3A_110 : memref<104x128xf32, #tpu.memory_space<hbm>>)
    return
  }
}

</mosaic_0001>

<sc_bundles>
// kernel: _emb_lookup.3.cloned.1.call-start
scs
__scs_entry_jumppad:
0x0: {  	(pc) =	sbr.rel $0x88, $3  }
0x1: {  	(tag) =	ssettag $0x0;
	lr =	simm.s32 $0x1  }
0x2: {  	[smem:$0x3F9F] =	sst lr;
	_ =	strace $0xD0000000  }
0x3: {  	_ = 	snop  }
0x4: {  	_ = 	snop  }
0x5: {  	_ = 	snop  }
0x6: {  	_ = 	snop  }
0x7: {  	_ = 	snop  }
__scs_overlays_trampoline_lowered:
0x8: {  	[smem:$0x3FAE] =	sst s0  }
0x9: {  	[smem:$0x3FAF] =	sst s1  }
0xa: {  	[smem:$0x3FB0] =	sst s2  }
0xb: {  	[smem:$0x3FB1] =	sst s3  }
0xc: {  	[smem:$0x3FB2] =	sst s4  }
0xd: {  	[smem:$0x3FB3] =	sst s5  }
0xe: {  	[smem:$0x3FB4] =	sst s6  }
0xf: {  	[smem:$0x3FB5] =	sst s7  }
0x10: {  	[smem:$0x3FB6] =	sst s8  }
0x11: {  	[smem:$0x3FB7] =	sst s9;
	s0 =	simm.s32 @!p0 $0x0  }
0x12: {  	s1 =	sld [smem:$0x3F9D];
	s0 =	simm.s32 @p0 $0x1  }
0x13: {  	[smem:$0x3FB8] =	sst s0;
	s0 =	simm.s32 @!p1 $0x0  }
0x14: {  	s2 =	sld [smem:$0x3F9C];
	s0 =	simm.s32 @p1 $0x1  }
0x15: {  	[smem:$0x3FB9] =	sst s0;
	s0 =	simm.s32 @!p2 $0x0  }
0x16: {  	s3 =	sld [smem:$0x3FDB];
	s0 =	simm.s32 @p2 $0x1  }
0x17: {  	s4 =	simm.s32 $0x1BF5;
	[smem:$0x3FBB] =	sst s0  }
0x18: {  	s0 =	sld [smem:$0x3F9E];
	_ =	swait.ge [sflag:s4], $0x0  }
0x19: {  	s7 =	sld [smem:$0x3F9F]  }
0x1a: {  	s8 =	sadd.s32 $0xFFFFE003, lr  }
0x1b: {  	s9 =	sadd.s32 $0xFFFFFEF7, lr;
	s5 =	simm.s32 $0xFFFFFFFF;
	p2 =	slt.u32 s8, $0xFFFFF086  }
0x1c: {  	p1 =	slt.u32 s9, $0xF7A;
	s5 =	simm.s32 @!p2 $0x0  }
0x1d: {  	s5 =	simm.s32 @p1 $0x1;
	p0 =	seq.s32 s7, s2  }
0x1e: {  	s7 =	smul.u32 @!p0 $0xF7A, s2;
	p2 =	seq.s32 @!p0 s5, $0x0  }
0x1f: {  	s9 =	smul.u32 $0xF7A, s1;
	s8 =	simm.s32 @!p0 $0x1BF5;
	p2 =	por !p2, p0  }
0x20: {  	[sflag:s8] =	ssyncset.s32 @!p0 $0xFFFFF086;
	s6 =	sadd.s32 @!p0 s3, s7;
	s7 =	simm.s32 @!p0 $0x108  }
0x21: {  	s3 =	sadd.s32 s3, s9;
	s6 =	sadd.s32 @!p0 $0x88, s6;
	s7 =	simm.s32 @p2 $0x1082  }
0x22: {  	[simem:s7], [sflag:s8] =	dma.local @!p0 [hbm:s6], $0xF7A  }
0x23: {  	s9 =	sor.u32 $0xD0000000, s2;
	s6 =	simm.s32 $0x108;
	_ =	swait.ge @!p0 [sflag:s8], $0x0  }
0x24: {  	s3 =	sadd.s32 $0x88, s3;
	s6 =	simm.s32 @!p1 $0x1082;
	[sflag:s4] =	ssyncset.s32 $0xFFFFF086  }
0x25: {  	[simem:s6], [sflag:s4] =	dma.local [hbm:s3], $0xF7A  }
0x26: {  	[smem:$0x3F9F] =	sst s1;
	(tag) =	ssettag s2;
	_ =	strace s9  }
0x27: {  	s1 =	sld [smem:$0x3FAF]  }
0x28: {  	s2 =	sld [smem:$0x3FB0]  }
0x29: {  	s4 =	sld [smem:$0x3FB2]  }
0x2a: {  	p0 =	seq.s32 s5, $0x0;
	s5 =	sld [smem:$0x3FB3]  }
0x2b: {  	s6 =	sld [smem:$0x3FB4]  }
0x2c: {  	s7 =	sld [smem:$0x3FB5]  }
0x2d: {  	s3 =	simm.s32 $0x108;
	s8 =	sld [smem:$0x3FB6]  }
0x2e: {  	s3 =	simm.s32 @!p0 $0x1082;
	s9 =	sld [smem:$0x3FB7]  }
0x2f: {  	lr =	sadd.s32 s0, s3;
	s0 =	sld [smem:$0x3FAE]  }
0x30: {  	s3 =	sld [smem:$0x3FB1]  }
0x31: {  	[smem:$0x3FBA] =	sst s10  }
0x32: {  	s10 =	sld [smem:$0x3FB8];
	_ =	sdelay $0x3  }
0x33: {  	p0 =	seq.s32 s10, $0x1;
	s10 =	sld [smem:$0x3FBA];
	_ =	sdelay $0x3  }
0x34: {  	[smem:$0x3FBA] =	sst s10  }
0x35: {  	s10 =	sld [smem:$0x3FB9];
	_ =	sdelay $0x3  }
0x36: {  	p1 =	seq.s32 s10, $0x1;
	s10 =	sld [smem:$0x3FBA];
	_ =	sdelay $0x3  }
0x37: {  	[smem:$0x3FBA] =	sst s10  }
0x38: {  	s10 =	sld [smem:$0x3FBB]  }
0x39: {  	_ = 	snop;
	(pc) =	sbr.ind lr, $3  }
0x3a: {  	_ = 	snop  }
0x3b: {  	_ = 	snop  }
0x3c: {  	p2 =	seq.s32 s10, $0x1;
	s10 =	sld [smem:$0x3FBA]  }
0x3d: {  	_ =	shalt  }
0x3e: {  	_ =	shalt  }
0x3f: {  	_ =	shalt  }
0x40: {  	_ =	shalt  }
0x41: {  	_ =	shalt  }
0x42: {  	_ =	shalt  }
0x43: {  	_ =	shalt  }
0x44: {  	_ =	shalt  }
0x45: {  	_ =	shalt  }
0x46: {  	_ =	shalt  }
0x47: {  	_ =	shalt  }
0x48: {  	_ =	shalt  }
0x49: {  	_ =	shalt  }
0x4a: {  	_ =	shalt  }
0x4b: {  	_ =	shalt  }
0x4c: {  	_ =	shalt  }
0x4d: {  	_ =	shalt  }
0x4e: {  	_ =	shalt  }
0x4f: {  	_ =	shalt  }
0x50: {  	_ =	shalt  }
0x51: {  	_ =	shalt  }
0x52: {  	_ =	shalt  }
0x53: {  	_ =	shalt  }
0x54: {  	_ =	shalt  }
0x55: {  	_ =	shalt  }
0x56: {  	_ =	shalt  }
0x57: {  	_ =	shalt  }
0x58: {  	_ =	shalt  }
0x59: {  	_ =	shalt  }
0x5a: {  	_ =	shalt  }
0x5b: {  	_ =	shalt  }
0x5c: {  	_ =	shalt  }
0x5d: {  	_ =	shalt  }
0x5e: {  	_ =	shalt  }
0x5f: {  	_ =	shalt  }
0x60: {  	_ =	shalt  }
0x61: {  	_ =	shalt  }
0x62: {  	_ =	shalt  }
0x63: {  	_ =	shalt  }
0x64: {  	_ =	shalt  }
0x65: {  	_ =	shalt  }
0x66: {  	_ =	shalt  }
0x67: {  	_ =	shalt  }
0x68: {  	_ =	shalt  }
0x69: {  	_ =	shalt  }
0x6a: {  	_ =	shalt  }
0x6b: {  	_ =	shalt  }
0x6c: {  	_ =	shalt  }
0x6d: {  	_ =	shalt  }
0x6e: {  	_ =	shalt  }
0x6f: {  	_ =	shalt  }
0x70: {  	_ =	shalt  }
0x71: {  	_ =	shalt  }
0x72: {  	_ =	shalt  }
0x73: {  	_ =	shalt  }
0x74: {  	_ =	shalt  }
0x75: {  	_ =	shalt  }
0x76: {  	_ =	shalt  }
0x77: {  	_ =	shalt  }
0x78: {  	_ =	shalt  }
0x79: {  	_ =	shalt  }
0x7a: {  	_ =	shalt  }
0x7b: {  	_ =	shalt  }
0x7c: {  	_ =	shalt  }
0x7d: {  	_ =	shalt  }
0x7e: {  	_ =	shalt  }
0x7f: {  	_ =	shalt  }
0x80: {  	_ =	shalt  }
0x81: {  	_ =	shalt  }
0x82: {  	_ =	shalt  }
0x83: {  	_ =	shalt  }
0x84: {  	_ =	shalt  }
0x85: {  	_ =	shalt  }
0x86: {  	_ =	shalt  }
0x87: {  	_ =	shalt  }
.Lfunc_end0:
.L_simem_size_0:
called_computation_lowered:
.L_overlay_start_0:
0x88: {  	s2 =	sld [smem:$0x3FD9]  }
0x89: {  	s3 =	sld [smem:$0x3FFE];
	_ =	sdelay $0x1  }
0x8a: {  	s1 =	srdreg.scid  }
0x8b: {  	s0 =	sand.u32 $0x1, s1  }
0x8c: {  	s17 =	sshll.u32 s0, $0xA;
	s2 =	sadd.s32 s3, s2  }
0x8d: {  	s2 =	sadd.s32 s2, s17  }
0x8e: {  	[smem:$0x3FC6] =	sst s2  }
0x8f: {  	_ = 	snop  }
0x90: {  	s2 =	sld [smem:$0x3FC8]  }
0x91: {  	s18 =	sld [smem:$0x3FD0];
	(tm) =	ssettm $0x1  }
0x92: {  	s4 =	sld [smem:$0x3FFB];
	_ =	sdelay $0x3  }
0x93: {  	_ =	strace s4  }
0x94: {  	s4 =	sld [smem:$0x3FFC];
	_ =	sdelay $0x3  }
0x95: {  	_ =	strace s4  }
0x96: {  	s4 =	sld [smem:$0x3FFD];
	_ =	sdelay $0x3  }
0x97: {  	_ =	strace s4  }
0x98: {  	_ =	strace $0x8FFFFFFF  }
0x99: {  	s19 =	sld [smem:$0x3FDB];
	_ =	sdelay $0x1  }
0x9a: {  	s5 =	simm.s32 $_scs_section_size  }
0x9b: {  	s6 =	simm.s32 $_size__tile_overlayer_lowered;
	s7 =	simm.s32 $_tile_overlayer_lowered  }
0x9c: {  	s22 =	simm.s32 $0x1BFF;
	s21 =	sshll.u32 s7, $0x1;
	s4 =	sadd.s32 s5, s19  }
0x9d: {  	s8 =	simm.s32 $0x0;
	s20 =	sshll.u32 s6, $0x1;
	s6 =	sadd.s32 s21, s4  }
0x9e: {  	[timem:s8], [sflag:s22] =	dma.local [hbm:s6], s20  }
0x9f: {  	_ =	swait.ge [sflag:s22], s20  }
0xa0: {  	s5 =	ssub.s32 $0x0, s20;
	[sflag:s22] =	ssyncset.done $0x0  }
0xa1: {  	[sflag:s22] =	ssyncadd.s32 s5;
	_ =	sdelay $0x1  }
0xa2: {  	s23 =	simm.s32 $0x1B8B  }
0xa3: {  	_ =	swait.ge [sflag:s23], $0x1  }
0xa4: {  	[sflag:s23] =	ssyncset.done $0x0  }
0xa5: {  	s25 =	simm.s32 $0x1B8E;
	s24 =	sld [smem:$0x3FFE];
	[sflag:s23] =	ssyncadd.s32 $0xFFFFFFFF  }
0xa6: {  	s26 =	simm.s32 $execute0_lowered;
	[smem:$0x3FD2] =	sst s25  }
0xa7: {  	s6 =	sshll.u32 s26, $0x1;
	_ =	strace $0x80000046;
	[dreg:$0x1] =	wrdreg $0xFFFFFFFF  }
0xa8: {  	s28 =	simm.s32 $_size_execute0_lowered;
	s4 =	sadd.s32 s4, s6;
	[dreg:$0x0] =	wrdreg $0x0  }
0xa9: {  	s6 =	sshll.u32 s28, $0x1;
	[dreg:$0x2] =	wrdreg s4  }
0xaa: {  	[dreg:$0x3] =	wrdreg s6  }
0xab: {  	[dreg:$0x4] =	wrdreg $0xC0  }
0xac: {  	_ =	task [dreg:s8], $0x5FFFF  }
0xad: {  	[dreg:$0x1] =	wrdreg $0xFFFFFFFF  }
0xae: {  	[dreg:$0x0] =	wrdreg $0x60  }
0xaf: {  	[dreg:$0x2] =	wrdreg s2  }
0xb0: {  	[dreg:$0x3] =	wrdreg s24  }
0xb1: {  	[dreg:$0x4] =	wrdreg s18  }
0xb2: {  	[dreg:$0x5] =	wrdreg $0x9  }
0xb3: {  	_ =	task.clear_ibuf [dreg:s8], $0x6FFFF;
	_ =	strace $0x90000046  }
0xb4: {  	s29 =	simm.s32 $0x9;
	_ =	strace $0x80000048  }
0xb5: {  	_ =	swait.ge [sflag:s29], $0x1  }
0xb6: {  	[sflag:s29] =	ssyncadd.s32 $0xFFFFFFFF  }
0xb7: {  	_ =	strace $0x90000048  }
0xb8: {  	_ =	sfence  }
0xb9: {  	s30 =	sld [smem:$0x0];
	_ =	sdelay $0x2  }
0xba: {  	s31 =	sshll.u32 s1, $0xD;
	s1 =	sshrl.u32 s1, $0x2  }
0xbb: {  	s3 =	sand.u32 $0x4000, s31;
	s1 =	sadd.s32 s1, s30  }
0xbc: {  	s0 =	sor.u32 s3, s0;
	s1 =	sshll.u32 s1, $0x11  }
0xbd: {  	s0 =	sor.u32 s1, s0  }
0xbe: {  	s0 =	sadd.s32 $0x8F2B, s0  }
0xbf: {  	[sflag:s0] =	ssyncadd.remote.s32 $0x1  }
0xc0: {  	_ =	sfence.sel $0xFFFF  }
0xc1: {  	[dreg:$0x0] =	wrdreg $0xFFFFFFFF;
	(pc) =	sbr.abs _section_cstart, $3  }
0xc2: {  	[dreg:$0x1] =	wrdreg $0xFFFFFFFF  }
0xc3: {  	_ =	task.clear_ibuf [dreg:s8], $0x2FFFF;
	_ =	strace $0x9FFFFFFF  }
0xc4: {  	(tm) =	ssettm $0x7FFFFFFF  }
0xc5: {  	_ =	shalt  }
tec
execute0_lowered:
.L_overlay_start_1:
0x0: {  	(tag) =	ssettag $0x1  }
0x1: {  	s1 =	rddreg [dreg:$0x0]  }
0x2: {  	s0 =	rddreg [dreg:$0x1]  }
0x3: {  	s2 =	rddreg [dreg:$0x2]  }
0x4: {  	s4 =	srdreg.scid;
	s9 =	stileid.u32;
	s3 =	simm.s32 $0x0  }
0x5: {  	s12 =	simm.s32 $0x68;
	s13 =	simm.s32 $0x4000;
	s17 =	simm.s32 $0xA800  }
0x6: {  	s21 =	simm.s32 $0x11000;
	s28 =	simm.s32 $0x1AC00;
	s29 =	simm.s32 $0x1  }
0x7: {  	s30 =	simm.s32 $0x3;
	s31 =	simm.s32 $0x5;
	s19 =	simm.s32 $0xD  }
0x8: {  	s20 =	simm.s32 $0xE;
	s22 =	simm.s32 $0xF;
	s23 =	simm.s32 $0x10  }
0x9: {  	s24 =	simm.s32 $0x0;
	s4 =	sand.u32 $0x1, s4;
	s5 =	sshll.u32 s9, $0x1  }
0xa: {  	[smem:$0x7FF] =	sst s3;
	s26 =	smul.u32 $0x68000, s9;
	s5 =	sor.u32 s4, s5  }
0xb: {  	s6 =	ssub.s32 $0x2, s4;
	_ =	strace $0x80000047;
	s7 =	sshll.u32 s5, $0xB  }
0xc: {  	s4 =	smul.u32 $0x34000, s4;
	s8 =	sshrl.u32 s6, $0x1;
	s0 =	sadd.s32 s7, s0  }
0xd: {  	s5 =	smul.u32 $0x34000, s5;
	s6 =	ssub.s32 s6, s8;
	s0 =	sadd.s32 $0x400, s0  }
.Ltmp0:
0xe: {  	s6 =	smax.u32 s6, $0x1;
	[dreg:$0x4] =	wrdreg s0;
	(pc) =	sbr.rel .LBB2_1-.Ltmp0, $4  }
0xf: {  	s25 =	sadd.s32 s2, s5;
	s2 =	sadd.s32 s26, s2;
	[dreg:$0x5] =	wrdreg s6  }
0x10: {  	s6 =	sadd.s32 $0x31280, s25;
	s7 =	sadd.s32 $0x31F80, s25;
	s8 =	sadd.s32 $0x32C80, s25  }
0x11: {  	s0 =	sadd.s32 $0x33980, s25;
	s10 =	sadd.s32 s4, s2;
	s25 =	simm.s32 $0x17800  }
0x12: {  	s2 =	simm.s32 $0x8;
	[dreg:$0x6] =	wrdreg s0;
	s0 =	simm.s32 $0x7  }
.LBB2_4:
0x13: {  	_ =	swait.ge [sflag:s2], $0x3400  }
0x14: {  	[sflag:s2] =	ssyncset.done $0x0  }
0x15: {  	s14 =	simm.s32 $0x9;
	s4 =	rddreg [dreg:$0x6];
	[sflag:s2] =	ssyncadd.s32 $0xFFFFCC00  }
0x16: {  	[hbm4b:s4+s3] =	stream.linear.scatter [tilespmem:s28], [sflag:$0x10], $0x3400, $0x38;
	[tilespmem:$0x1E000] =	vst v63  }
0x17: {  	_ =	swait.ge [sflag:s14], $0x3400  }
0x18: {  	[sflag:s14] =	ssyncset.done $0x0  }
0x19: {  	s15 =	simm.s32 $0xA;
	[sflag:s14] =	ssyncadd.s32 $0xFFFFCC00  }
0x1a: {  	_ =	swait.ge [sflag:s15], $0x3400  }
0x1b: {  	[sflag:s15] =	ssyncset.done $0x0  }
0x1c: {  	s16 =	simm.s32 $0xB;
	[sflag:s15] =	ssyncadd.s32 $0xFFFFCC00  }
0x1d: {  	_ =	swait.ge [sflag:s16], $0x3400  }
0x1e: {  	[sflag:s16] =	ssyncset.done $0x0  }
0x1f: {  	s18 =	simm.s32 $0xC;
	[sflag:s16] =	ssyncadd.s32 $0xFFFFCC00  }
0x20: {  	_ =	swait.ge [sflag:s18], $0x3400  }
0x21: {  	[sflag:s18] =	ssyncset.done $0x0  }
0x22: {  	[sflag:s18] =	ssyncadd.s32 $0xFFFFCC00  }
0x23: {  	_ =	swait.ge [sflag:s19], $0x3400  }
0x24: {  	[sflag:s19] =	ssyncset.done $0x0  }
0x25: {  	[sflag:s19] =	ssyncadd.s32 $0xFFFFCC00  }
0x26: {  	_ =	swait.ge [sflag:s20], $0x3400  }
0x27: {  	[sflag:s20] =	ssyncset.done $0x0  }
0x28: {  	[sflag:s20] =	ssyncadd.s32 $0xFFFFCC00  }
0x29: {  	_ =	swait.ge [sflag:s22], $0x3400  }
0x2a: {  	[sflag:s22] =	ssyncset.done $0x0  }
0x2b: {  	[sflag:s22] =	ssyncadd.s32 $0xFFFFCC00  }
0x2c: {  	_ =	swait.ge [sflag:s23], $0x3400  }
0x2d: {  	s24 =	sadd.s32 $0x1, s24;
	s26 =	rddreg [dreg:$0x5]  }
0x2e: {  	p0 =	sne.s32 s24, s26  }
.Ltmp1:
0x2f: {  	_ = 	snop;
	(pc) =	sbr.rel @!p0 .LBB2_5-.Ltmp1, $3  }
0x30: {  	_ =	sdelay $0x1  }
0x31: {  	[sflag:s23] =	ssyncset.done $0x0  }
0x32: {  	[sflag:s23] =	ssyncadd.s32 $0xFFFFCC00  }
.LBB2_1:
0x33: {  	s4 =	rddreg [dreg:$0x4];
	s18 =	simm.s32 $0x11  }
0x34: {  	[tilespmem:s3], [sflag:$0x11] =	stream.linear.gather [hbm4b:s4+s3], $0x4000, $0x38;
	[tilespmem:$0x1E000] =	vst v63  }
0x35: {  	_ =	swait.ge [sflag:s18], $0x4000  }
0x36: {  	[sflag:s18] =	ssyncset.done $0x0  }
0x37: {  	[sflag:s18] =	ssyncadd.s32 $0xFFFFC000  }
0x38: {  	[tilespmem:s13], [sflag:$0x1] =	stream.indirect.gather [hbm4b:s1+s12], $0x80, s3, s12, $0xb8;
	[tilespmem:$0x1E000] =	vst v63  }
0x39: {  	s26 =	simm.s32 $0x80;
	s5 =	simm.s32 $0x7400  }
0x3a: {  	[tilespmem:s5], [sflag:$0x2] =	stream.indirect.gather [hbm4b:s1+s12], $0x80, s26, s12, $0xb8;
	[tilespmem:$0x1E000] =	vst v63  }
0x3b: {  	s5 =	simm.s32 $0x100  }
0x3c: {  	[tilespmem:s17], [sflag:$0x3] =	stream.indirect.gather [hbm4b:s1+s12], $0x80, s5, s12, $0xb8;
	[tilespmem:$0x1E000] =	vst v63  }
0x3d: {  	s9 =	simm.s32 $0x180;
	s11 =	simm.s32 $0xDC00  }
0x3e: {  	[tilespmem:s11], [sflag:$0x4] =	stream.indirect.gather [hbm4b:s1+s12], $0x80, s9, s12, $0xb8;
	[tilespmem:$0x1E000] =	vst v63  }
0x3f: {  	s14 =	simm.s32 $0x200  }
0x40: {  	[tilespmem:s21], [sflag:$0x5] =	stream.indirect.gather [hbm4b:s1+s12], $0x80, s14, s12, $0xb8;
	[tilespmem:$0x1E000] =	vst v63  }
0x41: {  	s15 =	simm.s32 $0x280;
	s16 =	simm.s32 $0x14400  }
0x42: {  	[tilespmem:s16], [sflag:$0x6] =	stream.indirect.gather [hbm4b:s1+s12], $0x80, s15, s12, $0xb8;
	[tilespmem:$0x1E000] =	vst v63  }
0x43: {  	s18 =	simm.s32 $0x300  }
0x44: {  	[tilespmem:s25], [sflag:$0x7] =	stream.indirect.gather [hbm4b:s1+s12], $0x80, s18, s12, $0xb8;
	[tilespmem:$0x1E000] =	vst v63  }
0x45: {  	s26 =	simm.s32 $0x380  }
0x46: {  	[tilespmem:s28], [sflag:$0x8] =	stream.indirect.gather [hbm4b:s1+s12], $0x80, s26, s12, $0xb8;
	[tilespmem:$0x1E000] =	vst v63  }
0x47: {  	s4 =	simm.s32 $0x0;
	s26 =	simm.s32 $0x400  }
.LBB2_2:
0x48: {  	_ =	swait.ge [sflag:s29], $0x3400  }
0x49: {  	p0 =	seq.s32 s4, $0x30C00;
	[sflag:s29] =	ssyncset.done $0x0  }
0x4a: {  	s5 =	sadd.s32 s4, s10;
	s9 =	simm.s32 @p0 $0x2;
	[sflag:s29] =	ssyncadd.s32 $0xFFFFCC00  }
0x4b: {  	[hbm4b:s5+s3] =	stream.linear.scatter [tilespmem:s13], [sflag:$0x9], $0x3400, $0x38;
	[tilespmem:$0x1E000] =	vst v63  }
0x4c: {  	_ =	swait.ge @p0 [sflag:s9], $0x3400  }
0x4d: {  	[sflag:s9] =	ssyncset.done @p0 $0x0  }
0x4e: {  	s11 =	simm.s32 @p0 $0x0;
	[sflag:s9] =	ssyncadd.s32 @p0 $0xFFFFCC00;
	s9 =	simm.s32 @p0 $0x7400  }
0x4f: {  	[hbm4b:s6+s11] =	stream.linear.scatter @p0 [tilespmem:s9], [sflag:$0xA], $0x3400, $0x38;
	[tilespmem:$0x1E000] =	vst v63  }
0x50: {  	s9 =	simm.s32 @!p0 $0x9  }
0x51: {  	_ =	swait.ge @!p0 [sflag:s9], $0x3400  }
0x52: {  	[sflag:s9] =	ssyncset.done @!p0 $0x0  }
0x53: {  	s14 =	simm.s32 @!p0 $0x4000;
	[sflag:s9] =	ssyncadd.s32 @!p0 $0xFFFFCC00;
	s9 =	simm.s32 @!p0 $0x68  }
0x54: {  	[tilespmem:s14], [sflag:$0x1] =	stream.indirect.gather @!p0 [hbm4b:s1+s9], $0x80, s26, s9, $0xb8;
	[tilespmem:$0x1E000] =	vst v63  }
0x55: {  	s14 =	simm.s32 @!p0 $0x2  }
0x56: {  	_ =	swait.ge @!p0 [sflag:s14], $0x3400  }
0x57: {  	[sflag:s14] =	ssyncset.done @!p0 $0x0  }
0x58: {  	[sflag:s14] =	ssyncadd.s32 @!p0 $0xFFFFCC00;
	s14 =	sadd.s32 @!p0 s4, s10  }
0x59: {  	s15 =	simm.s32 @!p0 $0x0;
	s18 =	simm.s32 @!p0 $0x7400;
	s16 =	sadd.s32 @!p0 $0x680, s14  }
0x5a: {  	[hbm4b:s16+s15] =	stream.linear.scatter @!p0 [tilespmem:s18], [sflag:$0xA], $0x3400, $0x38;
	[tilespmem:$0x1E000] =	vst v63  }
0x5b: {  	s16 =	simm.s32 @!p0 $0xA  }
0x5c: {  	_ =	swait.ge @!p0 [sflag:s16], $0x3400  }
0x5d: {  	[sflag:s16] =	ssyncset.done @!p0 $0x0  }
0x5e: {  	[sflag:s16] =	ssyncadd.s32 @!p0 $0xFFFFCC00;
	s16 =	sadd.s32 @!p0 $0x80, s26  }
0x5f: {  	[tilespmem:s18], [sflag:$0x2] =	stream.indirect.gather @!p0 [hbm4b:s1+s9], $0x80, s16, s9, $0xb8;
	[tilespmem:$0x1E000] =	vst v63  }
0x60: {  	_ =	swait.ge [sflag:s30], $0x3400  }
0x61: {  	[sflag:s30] =	ssyncset.done $0x0  }
0x62: {  	s18 =	sadd.s32 $0xD00, s5;
	s16 =	simm.s32 @p0 $0x4;
	[sflag:s30] =	ssyncadd.s32 $0xFFFFCC00  }
0x63: {  	[hbm4b:s18+s3] =	stream.linear.scatter [tilespmem:s17], [sflag:$0xB], $0x3400, $0x38;
	[tilespmem:$0x1E000] =	vst v63  }
0x64: {  	_ =	swait.ge @p0 [sflag:s16], $0x3400  }
0x65: {  	[sflag:s16] =	ssyncset.done @p0 $0x0  }
0x66: {  	[sflag:s16] =	ssyncadd.s32 @p0 $0xFFFFCC00;
	s16 =	simm.s32 @p0 $0xDC00  }
0x67: {  	[hbm4b:s7+s11] =	stream.linear.scatter @p0 [tilespmem:s16], [sflag:$0xC], $0x3400, $0x38;
	[tilespmem:$0x1E000] =	vst v63  }
0x68: {  	s16 =	simm.s32 @!p0 $0xB  }
0x69: {  	_ =	swait.ge @!p0 [sflag:s16], $0x3400  }
0x6a: {  	[sflag:s16] =	ssyncset.done @!p0 $0x0  }
0x6b: {  	s18 =	simm.s32 @!p0 $0xA800;
	[sflag:s16] =	ssyncadd.s32 @!p0 $0xFFFFCC00;
	s16 =	sadd.s32 @!p0 $0x100, s26  }
0x6c: {  	[tilespmem:s18], [sflag:$0x3] =	stream.indirect.gather @!p0 [hbm4b:s1+s9], $0x80, s16, s9, $0xb8;
	[tilespmem:$0x1E000] =	vst v63  }
0x6d: {  	s16 =	simm.s32 @!p0 $0x4  }
0x6e: {  	_ =	swait.ge @!p0 [sflag:s16], $0x3400  }
0x6f: {  	[sflag:s16] =	ssyncset.done @!p0 $0x0  }
0x70: {  	s18 =	simm.s32 @!p0 $0xDC00;
	[sflag:s16] =	ssyncadd.s32 @!p0 $0xFFFFCC00;
	s16 =	sadd.s32 @!p0 $0x1380, s14  }
0x71: {  	[hbm4b:s16+s15] =	stream.linear.scatter @!p0 [tilespmem:s18], [sflag:$0xC], $0x3400, $0x38;
	[tilespmem:$0x1E000] =	vst v63  }
0x72: {  	s16 =	simm.s32 @!p0 $0xC  }
0x73: {  	_ =	swait.ge @!p0 [sflag:s16], $0x3400  }
0x74: {  	[sflag:s16] =	ssyncset.done @!p0 $0x0  }
0x75: {  	[sflag:s16] =	ssyncadd.s32 @!p0 $0xFFFFCC00;
	s16 =	sadd.s32 @!p0 $0x180, s26  }
0x76: {  	[tilespmem:s18], [sflag:$0x4] =	stream.indirect.gather @!p0 [hbm4b:s1+s9], $0x80, s16, s9, $0xb8;
	[tilespmem:$0x1E000] =	vst v63  }
0x77: {  	_ =	swait.ge [sflag:s31], $0x3400  }
0x78: {  	[sflag:s31] =	ssyncset.done $0x0  }
0x79: {  	s18 =	sadd.s32 $0x1A00, s5;
	s16 =	simm.s32 @p0 $0x6;
	[sflag:s31] =	ssyncadd.s32 $0xFFFFCC00  }
0x7a: {  	[hbm4b:s18+s3] =	stream.linear.scatter [tilespmem:s21], [sflag:$0xD], $0x3400, $0x38;
	[tilespmem:$0x1E000] =	vst v63  }
0x7b: {  	_ =	swait.ge @p0 [sflag:s16], $0x3400  }
0x7c: {  	[sflag:s16] =	ssyncset.done @p0 $0x0  }
0x7d: {  	[sflag:s16] =	ssyncadd.s32 @p0 $0xFFFFCC00;
	s16 =	simm.s32 @p0 $0x14400  }
0x7e: {  	[hbm4b:s8+s11] =	stream.linear.scatter @p0 [tilespmem:s16], [sflag:$0xE], $0x3400, $0x38;
	[tilespmem:$0x1E000] =	vst v63  }
0x7f: {  	s11 =	simm.s32 @!p0 $0xD  }
0x80: {  	_ =	swait.ge @!p0 [sflag:s11], $0x3400  }
0x81: {  	[sflag:s11] =	ssyncset.done @!p0 $0x0  }
0x82: {  	s16 =	simm.s32 @!p0 $0x11000;
	[sflag:s11] =	ssyncadd.s32 @!p0 $0xFFFFCC00;
	s11 =	sadd.s32 @!p0 $0x200, s26  }
0x83: {  	[tilespmem:s16], [sflag:$0x5] =	stream.indirect.gather @!p0 [hbm4b:s1+s9], $0x80, s11, s9, $0xb8;
	[tilespmem:$0x1E000] =	vst v63  }
0x84: {  	s11 =	simm.s32 @!p0 $0x6  }
0x85: {  	_ =	swait.ge @!p0 [sflag:s11], $0x3400  }
0x86: {  	[sflag:s11] =	ssyncset.done @!p0 $0x0  }
0x87: {  	[sflag:s11] =	ssyncadd.s32 @!p0 $0xFFFFCC00;
	s11 =	sadd.s32 @!p0 $0x2080, s14;
	s14 =	simm.s32 @!p0 $0x14400  }
0x88: {  	[hbm4b:s11+s15] =	stream.linear.scatter @!p0 [tilespmem:s14], [sflag:$0xE], $0x3400, $0x38;
	[tilespmem:$0x1E000] =	vst v63  }
0x89: {  	s11 =	simm.s32 @!p0 $0xE  }
0x8a: {  	_ =	swait.ge @!p0 [sflag:s11], $0x3400  }
0x8b: {  	[sflag:s11] =	ssyncset.done @!p0 $0x0  }
0x8c: {  	[sflag:s11] =	ssyncadd.s32 @!p0 $0xFFFFCC00;
	s11 =	sadd.s32 @!p0 $0x280, s26  }
0x8d: {  	[tilespmem:s14], [sflag:$0x6] =	stream.indirect.gather @!p0 [hbm4b:s1+s9], $0x80, s11, s9, $0xb8;
	[tilespmem:$0x1E000] =	vst v63  }
.Ltmp2:
0x8e: {  	_ = 	snop;
	(pc) =	sbr.rel @p0 .LBB2_4-.Ltmp2, $4  }
0x8f: {  	_ =	swait.ge [sflag:s0], $0x3400  }
0x90: {  	[sflag:s0] =	ssyncset.done $0x0  }
0x91: {  	s18 =	sadd.s32 $0x2700, s5;
	[sflag:s0] =	ssyncadd.s32 $0xFFFFCC00  }
0x92: {  	[hbm4b:s18+s3] =	stream.linear.scatter [tilespmem:s25], [sflag:$0xF], $0x3400, $0x38;
	[tilespmem:$0x1E000] =	vst v63  }
0x93: {  	_ =	swait.ge [sflag:s22], $0x3400  }
0x94: {  	[sflag:s22] =	ssyncset.done $0x0  }
0x95: {  	s9 =	sadd.s32 $0x300, s26;
	[sflag:s22] =	ssyncadd.s32 $0xFFFFCC00  }
0x96: {  	[tilespmem:s25], [sflag:$0x7] =	stream.indirect.gather [hbm4b:s1+s12], $0x80, s9, s12, $0xb8;
	[tilespmem:$0x1E000] =	vst v63  }
0x97: {  	_ =	swait.ge [sflag:s2], $0x3400  }
0x98: {  	[sflag:s2] =	ssyncset.done $0x0  }
0x99: {  	s5 =	sadd.s32 $0x2D80, s5;
	[sflag:s2] =	ssyncadd.s32 $0xFFFFCC00  }
0x9a: {  	[hbm4b:s5+s3] =	stream.linear.scatter [tilespmem:s28], [sflag:$0x10], $0x3400, $0x38;
	[tilespmem:$0x1E000] =	vst v63  }
.Ltmp3:
0x9b: {  	_ = 	snop;
	(pc) =	sbr.rel .LBB2_2-.Ltmp3, $4  }
0x9c: {  	_ =	swait.ge [sflag:s23], $0x3400  }
0x9d: {  	s18 =	sadd.s32 $0x380, s26;
	[sflag:s23] =	ssyncset.done $0x0  }
0x9e: {  	s4 =	sadd.s32 $0x3400, s4;
	s26 =	sadd.s32 $0x400, s26;
	[sflag:s23] =	ssyncadd.s32 $0xFFFFCC00  }
0x9f: {  	[tilespmem:s28], [sflag:$0x8] =	stream.indirect.gather [hbm4b:s1+s12], $0x80, s18, s12, $0xb8;
	[tilespmem:$0x1E000] =	vst v63  }
.LBB2_5:
0xa0: {  	_ =	sfence.sel $0x180000  }
0xa1: {  	[bflag:$0x0] =	sbarrier.arrive $0xFFFF  }
0xa2: {  	_ =	strace $0x90000047  }
0xa3: {  	s0 =	stileid.u32;
	[bflag:$0x2] =	sbarrier.arrive $0xFFFF  }
0xa4: {  	p0 =	sne.s32 s0, $0x0;
	s0 =	rddreg [dreg:$0x3]  }
0xa5: {  	s0 =	sadd.s32 @!p0 $0x100000, s0  }
0xa6: {  	[sflag:s0] =	ssyncadd.tile.s32 @!p0 $0x1;
	_ =	shalt  }
.Lfunc_end2:
_tile_overlayer_lowered:
.L_overlay_start_2:
0xa7: {  	(tag) =	ssettag $0x2  }
0xa8: {  	s0 =	rddreg [dreg:$0x0];
	s2 =	stileid.u32  }
0xa9: {  	s1 =	rddreg [dreg:$0x1];
	p0 =	sne.s32 s2, $0x0  }
0xaa: {  	s3 =	rddreg [dreg:$0x2];
	[bflag:$0x3] =	sbarrier.arrive $0xFFFF;
	s2 =	simm.s32 @!p0 $0x1C11  }
0xab: {  	[timem:s3], [sflag:s2] =	dma.local @!p0 [hbm:s0], s1  }
0xac: {  	s0 =	simm.s32 @!p0 $0x11  }
0xad: {  	_ =	swait.ge @!p0 [sflag:s0], s1  }
0xae: {  	s1 =	ssub.s32 @!p0 $0x0, s1;
	[sflag:s0] =	ssyncset.done @!p0 $0x0  }
0xaf: {  	[sflag:s0] =	ssyncadd.s32 @!p0 s1  }
0xb0: {  	[bflag:$0x3] =	sbarrier.arrive $0xFFFF  }
0xb1: {  	_ =	shalt  }

</sc_bundles>
